<compile_context>
chip_gen: v7x
topology: tpu7x:2x2x1
jax: 0.10.2.dev20260603
libtpu: 0.0.44.dev20260713+nightly
codegen_flags: <defaults>
</compile_context>

<pallas_src>
import functools

import jax
import jax.numpy as jnp
import numpy as np
from jax import lax
from jax.experimental import pallas as pl
from jax.experimental.pallas import tpu as pltpu
from jax.experimental.pallas import tpu_sc as plsc

NC = 2
NS = 16
NW = NC * NS
LANES = 16
CHUNK = 128

_SC_PARAMS = pltpu.CompilerParams(
    needs_layout_passes=False, use_tc_tiling_on_sc=False)


def _sigmoid(x):
    return 1.0 / (1.0 + jnp.exp(-x))


def _sc_edge_prep(N, NP, EPT):
    mesh = plsc.VectorSubcoreMesh(core_axis_name="c", subcore_axis_name="s")

    @functools.partial(
        pl.kernel,
        out_type=(
            jax.ShapeDtypeStruct((8, NW * EPT // 8), jnp.float32),
            jax.ShapeDtypeStruct((NW, N), jnp.float32),
            jax.ShapeDtypeStruct((NW * EPT,), jnp.int32),
        ),
        mesh=mesh,
        scratch_types=[
            pltpu.VMEM((EPT,), jnp.int32),
            pltpu.VMEM((EPT,), jnp.int32),
            pltpu.VMEM((NP * 4,), jnp.float32),
            pltpu.VMEM((NP,), jnp.float32),
            pltpu.VMEM((EPT,), jnp.float32),
        ],
        compiler_params=_SC_PARAMS,
    )
    def k(ei_hbm, coords_hbm, d2_hbm, cntp_hbm, rowp_hbm,
          row_v, col_v, xyz_v, cnt_v, d2_v):
        E = ei_hbm.shape[1]
        cid = lax.axis_index("c")
        sid = lax.axis_index("s")
        wid = sid * NC + cid
        base = wid * EPT
        base_sl = jnp.minimum(base, E - EPT)
        pltpu.sync_copy(ei_hbm.at[0].at[pl.ds(base_sl, EPT)], row_v)
        pltpu.sync_copy(ei_hbm.at[1].at[pl.ds(base_sl, EPT)], col_v)
        pltpu.sync_copy(coords_hbm, xyz_v)
        OV = NW * EPT - E
        sent = jnp.full((LANES,), N, jnp.int32)

        @pl.when(wid == NW - 1)
        def _():
            def sbody(i, carry):
                row_v[pl.ds(i * LANES, LANES)] = sent
                col_v[pl.ds(i * LANES, LANES)] = sent
                return carry

            lax.fori_loop(0, OV // LANES, sbody, 0)
        zero16 = jnp.zeros((LANES,), jnp.float32)

        def zbody(i, carry):
            cnt_v[pl.ds(i * LANES, LANES)] = zero16
            return carry

        lax.fori_loop(0, NP // LANES, zbody, 0)
        ones = jnp.full((LANES,), 1.0, jnp.float32)
        EPTB = EPT // 8
        io = lax.iota(jnp.int32, LANES)
        cvec = (io % 8) * EPTB + io // 8

        def body(i, carry):
            for u in range(4):
                off = i * (4 * LANES) + u * LANES
                r4 = row_v[pl.ds(off, LANES)] * 4
                c4 = col_v[pl.ds(off, LANES)] * 4
                dx = plsc.load_gather(xyz_v, [r4]) - plsc.load_gather(xyz_v, [c4])
                dy = plsc.load_gather(xyz_v, [r4 + 1]) - plsc.load_gather(xyz_v, [c4 + 1])
                dz = plsc.load_gather(xyz_v, [r4 + 2]) - plsc.load_gather(xyz_v, [c4 + 2])
                plsc.store_scatter(d2_v, [cvec + (off // 8)],
                                   dx * dx + dy * dy + dz * dz)
                plsc.addupdate_scatter(cnt_v, [col_v[pl.ds(off, LANES)]], ones)
            return carry

        lax.fori_loop(0, EPT // (4 * LANES), body, 0)
        for s in range(8):
            pltpu.sync_copy(d2_v.at[pl.ds(s * EPTB, EPTB)],
                            d2_hbm.at[s].at[pl.ds(wid * EPTB, EPTB)])
        pltpu.sync_copy(cnt_v.at[pl.ds(0, N)], cntp_hbm.at[wid])
        pltpu.sync_copy(row_v, rowp_hbm.at[pl.ds(base, EPT)])

    return k


def _tc_mlp(N, NB, BLKB, EPB, HID, OUT_C):

    def body(d28_ref, cntp_ref, f_ref, r_ref, qt_ref, r8a_ref, r8b_ref,
             mblk_ref, r8at_ref, w1_ref, b1_ref, w2_ref, b2_ref, w3_ref,
             b3t_ref, msg_ref, m3b_s, c1r_s):
        @pl.when(pl.program_id(0) == 0)
        def _():
            cnt1 = jnp.sum(cntp_ref[...], axis=0, keepdims=True)
            s1 = jnp.dot(cnt1, f_ref[...],
                         preferred_element_type=jnp.float32)
            srep = jnp.dot(s1, r_ref[...],
                           preferred_element_type=jnp.float32)
            m3 = jnp.dot(qt_ref[...] * srep, w3_ref[...],
                         preferred_element_type=jnp.float32)
            m3b_s[...] = mblk_ref[...] * jnp.dot(
                jnp.dot(r8a_ref[...], m3, preferred_element_type=jnp.float32),
                r8b_ref[...], preferred_element_type=jnp.float32)
            c1 = jnp.dot(s1, b3t_ref[...],
                         preferred_element_type=jnp.float32)
            c1r_s[...] = jnp.dot(c1, r8at_ref[...],
                                 preferred_element_type=jnp.float32)

        dd8 = jnp.sqrt(d28_ref[...])
        parts = []
        for s in range(8):
            pre1 = w1_ref[...] * dd8[s:s + 1, :] + b1_ref[...]
            h = pre1 * _sigmoid(pre1)
            pre2 = jnp.dot(w2_ref[...], h,
                           preferred_element_type=jnp.float32) + b2_ref[...]
            parts.append(pre2 * _sigmoid(pre2))
        filt8 = jnp.concatenate(parts, axis=0)
        msgp = lax.dot_general(filt8, m3b_s[...], (((0,), (1,)), ((), ())),
                               preferred_element_type=jnp.float32)
        msg_ref[...] = msgp + c1r_s[...]

    IN_C = 16
    return pl.pallas_call(
        body,
        grid=(NB,),
        in_specs=[
            pl.BlockSpec((8, BLKB), lambda i: (0, i)),
            pl.BlockSpec((NW, N), lambda i: (0, 0)),
            pl.BlockSpec((N, IN_C), lambda i: (0, 0)),
            pl.BlockSpec((IN_C, OUT_C * IN_C), lambda i: (0, 0)),
            pl.BlockSpec((OUT_C, OUT_C * IN_C), lambda i: (0, 0)),
            pl.BlockSpec((8 * OUT_C, OUT_C), lambda i: (0, 0)),
            pl.BlockSpec((HID, 8 * HID), lambda i: (0, 0)),
            pl.BlockSpec((8 * OUT_C, 8 * HID), lambda i: (0, 0)),
            pl.BlockSpec((OUT_C, 8 * OUT_C), lambda i: (0, 0)),
            pl.BlockSpec((HID, 1), lambda i: (0, 0)),
            pl.BlockSpec((HID, 1), lambda i: (0, 0)),
            pl.BlockSpec((HID, HID), lambda i: (0, 0)),
            pl.BlockSpec((HID, 1), lambda i: (0, 0)),
            pl.BlockSpec((OUT_C * IN_C, HID), lambda i: (0, 0)),
            pl.BlockSpec((IN_C, OUT_C), lambda i: (0, 0)),
        ],
        out_specs=pl.BlockSpec((BLKB, 8 * OUT_C), lambda i: (i, 0)),
        out_shape=jax.ShapeDtypeStruct((EPB, 8 * OUT_C), jnp.float32),
        scratch_shapes=[
            pltpu.VMEM((8 * OUT_C, 8 * HID), jnp.float32),
            pltpu.VMEM((1, 8 * OUT_C), jnp.float32),
        ],
        compiler_params=pltpu.CompilerParams(
            dimension_semantics=("arbitrary",),
            fuse_transposed_lhs_in_matmul=True),
    )


def _sc_scatter(NP, EPT, KC, OUT_C):
    mesh = plsc.VectorSubcoreMesh(core_axis_name="c", subcore_axis_name="s")
    NPS = NP // NS

    @functools.partial(
        pl.kernel,
        out_type=jax.ShapeDtypeStruct((NC, NP, OUT_C), jnp.float32),
        mesh=mesh,
        scratch_types=[
            pltpu.VMEM((EPT, OUT_C), jnp.float32),
            pltpu.VMEM((KC, CHUNK), jnp.int32),
            pltpu.VMEM_SHARED((NP, OUT_C), jnp.float32),
            pltpu.SemaphoreType.DMA,
        ],
        compiler_params=_SC_PARAMS,
    )
    def k(msg_hbm, idx_hbm, zeros_hbm, outp_hbm, msg_v, idx_v, acc_s, sem):
        cid = lax.axis_index("c")
        sid = lax.axis_index("s")
        wid = sid * NC + cid
        pltpu.sync_copy(zeros_hbm.at[pl.ds(sid * NPS, NPS)],
                        acc_s.at[pl.ds(sid * NPS, NPS)])
        pltpu.sync_copy(msg_hbm.at[pl.ds(wid * EPT, EPT)], msg_v)
        pltpu.sync_copy(idx_hbm.at[wid], idx_v)
        plsc.subcore_barrier()

        def fire(j, carry):
            pltpu.async_copy(msg_v.at[pl.ds(j * CHUNK, CHUNK)],
                             acc_s.at[idx_v.at[j]], sem, add=True)
            return carry

        lax.fori_loop(0, KC, fire, 0)

        def drain(j, carry):
            pltpu.make_async_copy(msg_v.at[pl.ds(0, CHUNK)],
                                  acc_s.at[idx_v.at[0]], sem).wait()
            return carry

        lax.fori_loop(0, KC, drain, 0)
        plsc.subcore_barrier()
        pltpu.sync_copy(acc_s.at[pl.ds(sid * NPS, NPS)],
                        outp_hbm.at[cid].at[pl.ds(sid * NPS, NPS)])

    return k


def _tc_combine(NPR):
    def body(p_ref, o_ref):
        o_ref[...] = p_ref[0] + p_ref[1]

    return pl.pallas_call(
        body,
        in_specs=[pl.BlockSpec((NC, NPR, 128), lambda: (0, 0, 0))],
        out_specs=pl.BlockSpec((NPR, 128), lambda: (0, 0)),
        out_shape=jax.ShapeDtypeStruct((NPR, 128), jnp.float32),
    )


def kernel(features, coords, edge_index, W1, b1, W2, b2, W3, b3):
    N, IN_C = features.shape
    E = edge_index.shape[1]
    HID = W2.shape[0]
    OUT_C = W3.shape[0] // IN_C

    NP = ((N + 1 + 127) // 128) * 128
    EPT = -(-E // NW)
    EPT = ((EPT + 255) // 256) * 256
    EP = EPT * NW
    KC = EPT // CHUNK
    BLK = 32768
    NB = EP // BLK

    coords_f = jnp.pad(coords, ((0, NP - N), (0, 1))).reshape(NP * 4)
    R = jnp.asarray(np.tile(np.eye(IN_C, dtype=np.float32), (1, OUT_C)))
    QT = jnp.asarray(np.repeat(np.eye(OUT_C, dtype=np.float32), IN_C, axis=1))
    R8a = jnp.asarray(np.tile(np.eye(OUT_C, dtype=np.float32), (8, 1)))
    R8b = jnp.asarray(np.tile(np.eye(HID, dtype=np.float32), (1, 8)))
    MASKblk = jnp.asarray(np.kron(np.eye(8, dtype=np.float32),
                                  np.ones((OUT_C, HID), dtype=np.float32)))
    R8aT = jnp.asarray(np.tile(np.eye(OUT_C, dtype=np.float32), (1, 8)))
    b3rT = b3.reshape(OUT_C, IN_C).T
    b1c = b1.reshape(HID, 1)
    b2c = b2.reshape(HID, 1)

    d28, cntp, rowp = _sc_edge_prep(N, NP, EPT)(edge_index, coords_f)
    EPB = EP // 8
    BLKB = BLK // 8
    NB = EPB // BLKB
    msgp = _tc_mlp(N, NB, BLKB, EPB, HID, OUT_C)(
        d28, cntp, features, R, QT, R8a, R8b, MASKblk, R8aT,
        W1, b1c, W2, b2c, W3, b3rT)
    msg = msgp.reshape(EP, OUT_C)
    idx3d = rowp.reshape(NW, KC, CHUNK)
    zeros_out = jnp.zeros((NP, OUT_C), jnp.float32)
    outp = _sc_scatter(NP, EPT, KC, OUT_C)(msg, idx3d, zeros_out)
    NPR = NP * OUT_C // 128
    out2 = _tc_combine(NPR)(outp.reshape(NC, NPR, 128))
    return out2.reshape(NP, OUT_C)[:N]

# --- scband reference (transcript-rebuilt; emitter-appended) ---
"""Pipeline reference for scband-e3-conv-83270825935546 (READ-ONLY COPY).

The authoritative reference and input builder live on the scoring server;
editing this copy changes nothing except your own understanding.
"""

import jax, jax.numpy as jnp
import numpy as np

N = 10000
E = 160000
IN_C = 16
OUT_C = 16
HID = 32


def _linear_params(key, fan_in, fan_out):
    k1, k2 = jax.random.split(key)
    bound = 1.0 / np.sqrt(fan_in)
    W = jax.random.uniform(k1, (fan_out, fan_in), minval=-bound, maxval=bound, dtype=jnp.float32)
    b = jax.random.uniform(k2, (fan_out,), minval=-bound, maxval=bound, dtype=jnp.float32)
    return W, b


def setup_inputs(seed: int = 0) -> dict:
    key = jax.random.key(seed)
    ks = jax.random.split(key, 6)
    features = jax.random.normal(ks[0], (N, IN_C), dtype=jnp.float32)
    coords = jax.random.normal(ks[1], (N, 3), dtype=jnp.float32)
    ei = jax.random.randint(ks[2], (2, E), 0, N, dtype=jnp.int32)
    row, col = ei[0], ei[1]
    # avoid self-loops so that ||rel_pos|| > 0 (norm grad undefined at 0)
    col = jnp.where(col == row, (col + 1) % N, col)
    edge_index = jnp.stack([row, col], axis=0)
    W1, b1 = _linear_params(ks[3], 1, HID)
    W2, b2 = _linear_params(ks[4], HID, HID)
    W3, b3 = _linear_params(ks[5], HID, IN_C * OUT_C)
    return {"features": features, "coords": coords, "edge_index": edge_index,
            "W1": W1, "b1": b1, "W2": W2, "b2": b2, "W3": W3, "b3": b3}


def reference(features, coords, edge_index, W1, b1, W2, b2, W3, b3):
    row = edge_index[0]
    col = edge_index[1]
    rel_pos = coords[row] - coords[col]
    distances = jnp.sqrt(jnp.sum(rel_pos * rel_pos, axis=-1, keepdims=True))
    h = jax.nn.silu(distances @ W1.T + b1)
    filters = jax.nn.silu(h @ W2.T + b2)
    coeffs = (filters @ W3.T + b3).reshape(-1, OUT_C, IN_C)
    neighbor_features = features[col]
    # faithful to torch.einsum('noi,ei->no', ...): n and e are DISTINCT summation/output
    # labels both of size E, so e and i are contracted over ALL edges
    messages = jnp.einsum('noi,ei->no', coeffs, neighbor_features)
    out = jnp.zeros((features.shape[0], OUT_C), dtype=features.dtype).at[row].add(messages)
    return out

if __name__ == "__main__":
    import jax
    _d = setup_inputs()
    print(jax.jit(kernel)(*tuple(_d.values())))

</pallas_src>

<mosaic_0001>
#map = affine_map<(d0, d1) -> (0, 0)>
#map1 = affine_map<(d0, d1) -> (0)>
module attributes {stable_mosaic.version = 14 : i64} {
  func.func @k(%arg0: i32, %arg1: i32, %arg2: memref<2x160000xi32, #tpu.memory_space<hbm>>, %arg3: memref<40448xf32, #tpu.memory_space<hbm>>, %arg4: memref<8x20480xf32, #tpu.memory_space<hbm>>, %arg5: memref<32x10000xf32, #tpu.memory_space<hbm>>, %arg6: memref<163840xi32, #tpu.memory_space<hbm>>, %arg7: memref<5120xi32, #tpu.memory_space<vmem>>, %arg8: memref<5120xi32, #tpu.memory_space<vmem>>, %arg9: memref<40448xf32, #tpu.memory_space<vmem>>, %arg10: memref<10112xf32, #tpu.memory_space<vmem>>, %arg11: memref<5120xf32, #tpu.memory_space<vmem>>) attributes {dimension_semantics = [#tpu.dimension_semantics<core_parallel>, #tpu.dimension_semantics<subcore_parallel>], iteration_bounds = array<i64: 2, 16>, scalar_prefetch = 0 : i64, scratch_operands = 5 : i64, tpu.core_type = #tpu.core_type<sc_vector_subcore>, window_params = [{transform_indices = #map}, {transform_indices = #map1}, {transform_indices = #map}, {transform_indices = #map}, {transform_indices = #map1}]} {
    %mul3A = arith.constant 2 : i32
    %mul3A_0 = arith.muli %arg1, %mul3A : i32
    %add3A = arith.addi %mul3A_0, %arg0 : i32
    %mul3A_1 = arith.constant 5120 : i32
    %mul3A_2 = arith.muli %add3A, %mul3A_1 : i32
    %min3A = arith.constant 154880 : i32
    %min3A_3 = arith.minsi %mul3A_2, %min3A : i32
    %run_scoped3A = arith.constant 0 : i32
    "tpu.region"() ({
      %run_scoped3A_95 = tpu.sem_alloc : memref<!tpu.dma_semaphore, #tpu.memory_space<semaphore_mem>>
      %dma_start3A = arith.constant 0 : i32
      %dma_start3A_96 = tpu.memref_slice %arg2[%run_scoped3A, %dma_start3A] : memref<2x160000xi32, #tpu.memory_space<hbm>> -> memref<1x160000xi32, #tpu.memory_space<hbm>>
      %dma_start3A_97 = tpu.memref_squeeze %dma_start3A_96 : memref<1x160000xi32, #tpu.memory_space<hbm>> -> memref<160000xi32, #tpu.memory_space<hbm>>
      %dma_start3A_98 = tpu.memref_slice %dma_start3A_97[%min3A_3] : memref<160000xi32, #tpu.memory_space<hbm>> -> memref<5120xi32, #tpu.memory_space<hbm>>
      %dma_start3A_99 = arith.constant 0 : i32
      %dma_start3A_100 = tpu.memref_slice %arg2[%run_scoped3A, %dma_start3A_99] : memref<2x160000xi32, #tpu.memory_space<hbm>> -> memref<1x160000xi32, #tpu.memory_space<hbm>>
      %dma_start3A_101 = tpu.memref_squeeze %dma_start3A_100 : memref<1x160000xi32, #tpu.memory_space<hbm>> -> memref<160000xi32, #tpu.memory_space<hbm>>
      %dma_start3A_102 = tpu.memref_slice %dma_start3A_101[%min3A_3] : memref<160000xi32, #tpu.memory_space<hbm>> -> memref<5120xi32, #tpu.memory_space<hbm>>
      tpu.enqueue_dma source(%dma_start3A_102 : memref<5120xi32, #tpu.memory_space<hbm>>) target(%arg7 : memref<5120xi32, #tpu.memory_space<vmem>>) target_semaphore(%run_scoped3A_95 : memref<!tpu.dma_semaphore, #tpu.memory_space<semaphore_mem>>)
      %dma_wait3A = arith.constant 0 : i32
      %dma_wait3A_103 = tpu.memref_slice %arg2[%run_scoped3A, %dma_wait3A] : memref<2x160000xi32, #tpu.memory_space<hbm>> -> memref<1x160000xi32, #tpu.memory_space<hbm>>
      %dma_wait3A_104 = tpu.memref_squeeze %dma_wait3A_103 : memref<1x160000xi32, #tpu.memory_space<hbm>> -> memref<160000xi32, #tpu.memory_space<hbm>>
      %dma_wait3A_105 = tpu.memref_slice %dma_wait3A_104[%min3A_3] : memref<160000xi32, #tpu.memory_space<hbm>> -> memref<5120xi32, #tpu.memory_space<hbm>>
      %dma_wait3A_106 = arith.constant 0 : i32
      %dma_wait3A_107 = tpu.memref_slice %arg2[%run_scoped3A, %dma_wait3A_106] : memref<2x160000xi32, #tpu.memory_space<hbm>> -> memref<1x160000xi32, #tpu.memory_space<hbm>>
      %dma_wait3A_108 = tpu.memref_squeeze %dma_wait3A_107 : memref<1x160000xi32, #tpu.memory_space<hbm>> -> memref<160000xi32, #tpu.memory_space<hbm>>
      %dma_wait3A_109 = tpu.memref_slice %dma_wait3A_108[%min3A_3] : memref<160000xi32, #tpu.memory_space<hbm>> -> memref<5120xi32, #tpu.memory_space<hbm>>
      tpu.wait_dma2 semaphore(%run_scoped3A_95 : memref<!tpu.dma_semaphore, #tpu.memory_space<semaphore_mem>>) src(%dma_wait3A_109 : memref<5120xi32, #tpu.memory_space<hbm>>) dst(%arg7 : memref<5120xi32, #tpu.memory_space<vmem>>)
      tpu.yield
    }) : () -> ()
    %run_scoped3A_4 = arith.constant 1 : i32
    "tpu.region"() ({
      %run_scoped3A_95 = tpu.sem_alloc : memref<!tpu.dma_semaphore, #tpu.memory_space<semaphore_mem>>
      %dma_start3A = arith.constant 0 : i32
      %dma_start3A_96 = tpu.memref_slice %arg2[%run_scoped3A_4, %dma_start3A] : memref<2x160000xi32, #tpu.memory_space<hbm>> -> memref<1x160000xi32, #tpu.memory_space<hbm>>
      %dma_start3A_97 = tpu.memref_squeeze %dma_start3A_96 : memref<1x160000xi32, #tpu.memory_space<hbm>> -> memref<160000xi32, #tpu.memory_space<hbm>>
      %dma_start3A_98 = tpu.memref_slice %dma_start3A_97[%min3A_3] : memref<160000xi32, #tpu.memory_space<hbm>> -> memref<5120xi32, #tpu.memory_space<hbm>>
      %dma_start3A_99 = arith.constant 0 : i32
      %dma_start3A_100 = tpu.memref_slice %arg2[%run_scoped3A_4, %dma_start3A_99] : memref<2x160000xi32, #tpu.memory_space<hbm>> -> memref<1x160000xi32, #tpu.memory_space<hbm>>
      %dma_start3A_101 = tpu.memref_squeeze %dma_start3A_100 : memref<1x160000xi32, #tpu.memory_space<hbm>> -> memref<160000xi32, #tpu.memory_space<hbm>>
      %dma_start3A_102 = tpu.memref_slice %dma_start3A_101[%min3A_3] : memref<160000xi32, #tpu.memory_space<hbm>> -> memref<5120xi32, #tpu.memory_space<hbm>>
      tpu.enqueue_dma source(%dma_start3A_102 : memref<5120xi32, #tpu.memory_space<hbm>>) target(%arg8 : memref<5120xi32, #tpu.memory_space<vmem>>) target_semaphore(%run_scoped3A_95 : memref<!tpu.dma_semaphore, #tpu.memory_space<semaphore_mem>>)
      %dma_wait3A = arith.constant 0 : i32
      %dma_wait3A_103 = tpu.memref_slice %arg2[%run_scoped3A_4, %dma_wait3A] : memref<2x160000xi32, #tpu.memory_space<hbm>> -> memref<1x160000xi32, #tpu.memory_space<hbm>>
      %dma_wait3A_104 = tpu.memref_squeeze %dma_wait3A_103 : memref<1x160000xi32, #tpu.memory_space<hbm>> -> memref<160000xi32, #tpu.memory_space<hbm>>
      %dma_wait3A_105 = tpu.memref_slice %dma_wait3A_104[%min3A_3] : memref<160000xi32, #tpu.memory_space<hbm>> -> memref<5120xi32, #tpu.memory_space<hbm>>
      %dma_wait3A_106 = arith.constant 0 : i32
      %dma_wait3A_107 = tpu.memref_slice %arg2[%run_scoped3A_4, %dma_wait3A_106] : memref<2x160000xi32, #tpu.memory_space<hbm>> -> memref<1x160000xi32, #tpu.memory_space<hbm>>
      %dma_wait3A_108 = tpu.memref_squeeze %dma_wait3A_107 : memref<1x160000xi32, #tpu.memory_space<hbm>> -> memref<160000xi32, #tpu.memory_space<hbm>>
      %dma_wait3A_109 = tpu.memref_slice %dma_wait3A_108[%min3A_3] : memref<160000xi32, #tpu.memory_space<hbm>> -> memref<5120xi32, #tpu.memory_space<hbm>>
      tpu.wait_dma2 semaphore(%run_scoped3A_95 : memref<!tpu.dma_semaphore, #tpu.memory_space<semaphore_mem>>) src(%dma_wait3A_109 : memref<5120xi32, #tpu.memory_space<hbm>>) dst(%arg8 : memref<5120xi32, #tpu.memory_space<vmem>>)
      tpu.yield
    }) : () -> ()
    "tpu.region"() ({
      %run_scoped3A_95 = tpu.sem_alloc : memref<!tpu.dma_semaphore, #tpu.memory_space<semaphore_mem>>
      tpu.enqueue_dma source(%arg3 : memref<40448xf32, #tpu.memory_space<hbm>>) target(%arg9 : memref<40448xf32, #tpu.memory_space<vmem>>) target_semaphore(%run_scoped3A_95 : memref<!tpu.dma_semaphore, #tpu.memory_space<semaphore_mem>>)
      tpu.wait_dma2 semaphore(%run_scoped3A_95 : memref<!tpu.dma_semaphore, #tpu.memory_space<semaphore_mem>>) src(%arg3 : memref<40448xf32, #tpu.memory_space<hbm>>) dst(%arg9 : memref<40448xf32, #tpu.memory_space<vmem>>)
      tpu.yield
    }) : () -> ()
    %broadcast_in_dim3A = arith.constant 10000 : i32
    %broadcast_in_dim3A_5 = vector.broadcast %broadcast_in_dim3A : i32 to vector<16xi32>
    %eq3A = arith.constant 31 : i32
    %eq3A_6 = arith.cmpi eq, %add3A, %eq3A : i32
    %convert_element_type3A = arith.extui %eq3A_6 : i1 to i32
    %cond3A = arith.constant 0 : i32
    %cond3A_7 = arith.cmpi ne, %convert_element_type3A, %cond3A : i32
    scf.if %cond3A_7 {
      %scan3A_95 = arith.constant 0 : i32
      %scan3A_96 = arith.constant 0 : i32
      %scan3A_97 = arith.constant 240 : i32
      %scan3A_98 = arith.addi %scan3A_96, %scan3A_97 : i32
      %scan3A_99 = arith.constant 1 : i32
      scf.for %scan3A_101 = %scan3A_96 to %scan3A_98 step %scan3A_99  : i32 {
        %mul3A_102 = arith.constant 16 : i32
        %mul3A_103 = arith.muli %scan3A_101, %mul3A_102 : i32
        %swap3A = arith.index_cast %mul3A_103 : i32 to index
        %swap3A_104 = tpu.vector_load %arg7[%swap3A] {strides = array<i32>} : memref<5120xi32, #tpu.memory_space<vmem>>, vector<16xi32>,
        tpu.vector_store %arg7[%swap3A], %broadcast_in_dim3A_5 {strides = array<i32>} : memref<5120xi32, #tpu.memory_space<vmem>>, vector<16xi32>,
        %mul3A_105 = arith.constant 16 : i32
        %mul3A_106 = arith.muli %scan3A_101, %mul3A_105 : i32
        %swap3A_107 = arith.index_cast %mul3A_106 : i32 to index
        %swap3A_108 = tpu.vector_load %arg8[%swap3A_107] {strides = array<i32>} : memref<5120xi32, #tpu.memory_space<vmem>>, vector<16xi32>,
        tpu.vector_store %arg8[%swap3A_107], %broadcast_in_dim3A_5 {strides = array<i32>} : memref<5120xi32, #tpu.memory_space<vmem>>, vector<16xi32>,
      }
      %scan3A_100 = arith.constant 240 : i32
    } else {
    }
    %broadcast_in_dim3A_8 = arith.constant 0.000000e+00 : f32
    %broadcast_in_dim3A_9 = vector.broadcast %broadcast_in_dim3A_8 : f32 to vector<16xf32>
    %scan3A = arith.constant 0 : i32
    %scan3A_10 = arith.constant 0 : i32
    %scan3A_11 = arith.constant 632 : i32
    %scan3A_12 = arith.addi %scan3A_10, %scan3A_11 : i32
    %scan3A_13 = arith.constant 1 : i32
    scf.for %scan3A_95 = %scan3A_10 to %scan3A_12 step %scan3A_13  : i32 {
      %mul3A_96 = arith.constant 16 : i32
      %mul3A_97 = arith.muli %scan3A_95, %mul3A_96 : i32
      %swap3A = arith.index_cast %mul3A_97 : i32 to index
      %swap3A_98 = tpu.vector_load %arg10[%swap3A] {strides = array<i32>} : memref<10112xf32, #tpu.memory_space<vmem>>, vector<16xf32>,
      tpu.vector_store %arg10[%swap3A], %broadcast_in_dim3A_9 {strides = array<i32>} : memref<10112xf32, #tpu.memory_space<vmem>>, vector<16xf32>,
    }
    %scan3A_14 = arith.constant 632 : i32
    %broadcast_in_dim3A_15 = arith.constant 1.000000e+00 : f32
    %broadcast_in_dim3A_16 = vector.broadcast %broadcast_in_dim3A_15 : f32 to vector<16xf32>
    %iota3A = tpu.iota {dimensions = array<i32: 0>} : vector<16xi32>
    %jit3A = arith.constant 8 : i32
    %eq3A_17 = arith.constant 0 : i32
    %eq3A_18 = arith.cmpi eq, %jit3A, %eq3A_17 : i32
    %jit3A_19 = arith.constant 1 : i32
    %select_n3A = arith.select %eq3A_18, %jit3A_19, %jit3A : i32
    %rem3A = vector.broadcast %select_n3A : i32 to vector<16xi32>
    %rem3A_20 = arith.remsi %iota3A, %rem3A : vector<16xi32>
    %ne3A = arith.constant 0 : i32
    %ne3A_21 = vector.broadcast %ne3A : i32 to vector<16xi32>
    %ne3A_22 = arith.cmpi ne, %rem3A_20, %ne3A_21 : vector<16xi32>
    %lt3A = arith.constant 0 : i32
    %lt3A_23 = vector.broadcast %lt3A : i32 to vector<16xi32>
    %lt3A_24 = arith.cmpi slt, %rem3A_20, %lt3A_23 : vector<16xi32>
    %lt3A_25 = arith.constant 0 : i32
    %lt3A_26 = arith.cmpi slt, %select_n3A, %lt3A_25 : i32
    %ne3A_27 = vector.broadcast %lt3A_26 : i1 to vector<16xi1>
    %ne3A_28 = vector.broadcast %ne3A_27 : vector<16xi1> to vector<16xi1>
    %ne3A_29 = arith.xori %lt3A_24, %ne3A_28 : vector<16xi1>
    %and3A = arith.andi %ne3A_29, %ne3A_22 : vector<16xi1>
    %add3A_30 = vector.broadcast %select_n3A : i32 to vector<16xi32>
    %add3A_31 = arith.addi %rem3A_20, %add3A_30 : vector<16xi32>
    %select_n3A_32 = arith.select %and3A, %add3A_31, %rem3A_20 : vector<16xi1>, vector<16xi32>
    %mul3A_33 = arith.constant 640 : i32
    %mul3A_34 = vector.broadcast %mul3A_33 : i32 to vector<16xi32>
    %mul3A_35 = arith.muli %select_n3A_32, %mul3A_34 : vector<16xi32>
    %jit3A_36 = arith.constant 8 : i32
    %div3A = vector.broadcast %jit3A_36 : i32 to vector<16xi32>
    %div3A_37 = arith.divsi %iota3A, %div3A : vector<16xi32>
    %sign3A = arith.constant 0 : i32
    %sign3A_38 = vector.broadcast %sign3A : i32 to vector<16xi32>
    %sign3A_39 = arith.cmpi sgt, %iota3A, %sign3A_38 : vector<16xi32>
    %sign3A_40 = arith.extui %sign3A_39 : vector<16xi1> to vector<16xi32>
    %sign3A_41 = arith.constant 0 : i32
    %sign3A_42 = vector.broadcast %sign3A_41 : i32 to vector<16xi32>
    %sign3A_43 = arith.cmpi slt, %iota3A, %sign3A_42 : vector<16xi32>
    %sign3A_44 = arith.extui %sign3A_43 : vector<16xi1> to vector<16xi32>
    %sign3A_45 = arith.subi %sign3A_40, %sign3A_44 : vector<16xi32>
    %sign3A_46 = arith.constant 0 : i32
    %sign3A_47 = arith.cmpi sgt, %jit3A_36, %sign3A_46 : i32
    %sign3A_48 = arith.extui %sign3A_47 : i1 to i32
    %sign3A_49 = arith.constant 0 : i32
    %sign3A_50 = arith.cmpi slt, %jit3A_36, %sign3A_49 : i32
    %sign3A_51 = arith.extui %sign3A_50 : i1 to i32
    %sign3A_52 = arith.subi %sign3A_48, %sign3A_51 : i32
    %ne3A_53 = vector.broadcast %sign3A_52 : i32 to vector<16xi32>
    %ne3A_54 = arith.cmpi ne, %sign3A_45, %ne3A_53 : vector<16xi32>
    %rem3A_55 = vector.broadcast %jit3A_36 : i32 to vector<16xi32>
    %rem3A_56 = arith.remsi %iota3A, %rem3A_55 : vector<16xi32>
    %ne3A_57 = arith.constant 0 : i32
    %ne3A_58 = vector.broadcast %ne3A_57 : i32 to vector<16xi32>
    %ne3A_59 = arith.cmpi ne, %rem3A_56, %ne3A_58 : vector<16xi32>
    %and3A_60 = arith.andi %ne3A_54, %ne3A_59 : vector<16xi1>
    %sub3A = arith.constant 1 : i32
    %sub3A_61 = vector.broadcast %sub3A : i32 to vector<16xi32>
    %sub3A_62 = arith.subi %div3A_37, %sub3A_61 : vector<16xi32>
    %select_n3A_63 = arith.select %and3A_60, %sub3A_62, %div3A_37 : vector<16xi1>, vector<16xi32>
    %add3A_64 = arith.addi %mul3A_35, %select_n3A_63 : vector<16xi32>
    %scan3A_65 = arith.constant 0 : i32
    %scan3A_66 = arith.constant 0 : i32
    %scan3A_67 = arith.constant 80 : i32
    %scan3A_68 = arith.addi %scan3A_66, %scan3A_67 : i32
    %scan3A_69 = arith.constant 1 : i32
    scf.for %scan3A_95 = %scan3A_66 to %scan3A_68 step %scan3A_69  : i32 {
      %mul3A_96 = arith.constant 64 : i32
      %mul3A_97 = arith.muli %scan3A_95, %mul3A_96 : i32
      %add3A_98 = arith.constant 0 : i32
      %add3A_99 = arith.addi %mul3A_97, %add3A_98 : i32
      %get3A = arith.index_cast %add3A_99 : i32 to index
      %get3A_100 = tpu.vector_load %arg7[%get3A] {strides = array<i32>} : memref<5120xi32, #tpu.memory_space<vmem>>, vector<16xi32>,
      %mul3A_101 = arith.constant 4 : i32
      %mul3A_102 = vector.broadcast %mul3A_101 : i32 to vector<16xi32>
      %mul3A_103 = arith.muli %get3A_100, %mul3A_102 : vector<16xi32>
      %get3A_104 = arith.index_cast %add3A_99 : i32 to index
      %get3A_105 = tpu.vector_load %arg8[%get3A_104] {strides = array<i32>} : memref<5120xi32, #tpu.memory_space<vmem>>, vector<16xi32>,
      %mul3A_106 = arith.constant 4 : i32
      %mul3A_107 = vector.broadcast %mul3A_106 : i32 to vector<16xi32>
      %mul3A_108 = arith.muli %get3A_105, %mul3A_107 : vector<16xi32>
      %gather3A = tpu.vector_load_idx %arg9[%mul3A_103] : memref<40448xf32, #tpu.memory_space<vmem>>[vector<16xi32>], vector<16xf32>,
      %gather3A_109 = tpu.vector_load_idx %arg9[%mul3A_108] : memref<40448xf32, #tpu.memory_space<vmem>>[vector<16xi32>], vector<16xf32>,
      %sub3A_110 = arith.subf %gather3A, %gather3A_109 : vector<16xf32>
      %add3A_111 = arith.constant 1 : i32
      %add3A_112 = vector.broadcast %add3A_111 : i32 to vector<16xi32>
      %add3A_113 = arith.addi %mul3A_103, %add3A_112 : vector<16xi32>
      %gather3A_114 = tpu.vector_load_idx %arg9[%add3A_113] : memref<40448xf32, #tpu.memory_space<vmem>>[vector<16xi32>], vector<16xf32>,
      %add3A_115 = arith.constant 1 : i32
      %add3A_116 = vector.broadcast %add3A_115 : i32 to vector<16xi32>
      %add3A_117 = arith.addi %mul3A_108, %add3A_116 : vector<16xi32>
      %gather3A_118 = tpu.vector_load_idx %arg9[%add3A_117] : memref<40448xf32, #tpu.memory_space<vmem>>[vector<16xi32>], vector<16xf32>,
      %sub3A_119 = arith.subf %gather3A_114, %gather3A_118 : vector<16xf32>
      %add3A_120 = arith.constant 2 : i32
      %add3A_121 = vector.broadcast %add3A_120 : i32 to vector<16xi32>
      %add3A_122 = arith.addi %mul3A_103, %add3A_121 : vector<16xi32>
      %gather3A_123 = tpu.vector_load_idx %arg9[%add3A_122] : memref<40448xf32, #tpu.memory_space<vmem>>[vector<16xi32>], vector<16xf32>,
      %add3A_124 = arith.constant 2 : i32
      %add3A_125 = vector.broadcast %add3A_124 : i32 to vector<16xi32>
      %add3A_126 = arith.addi %mul3A_108, %add3A_125 : vector<16xi32>
      %gather3A_127 = tpu.vector_load_idx %arg9[%add3A_126] : memref<40448xf32, #tpu.memory_space<vmem>>[vector<16xi32>], vector<16xf32>,
      %sub3A_128 = arith.subf %gather3A_123, %gather3A_127 : vector<16xf32>
      %jit3A_129 = arith.constant 8 : i32
      %div3A_130 = arith.divsi %add3A_99, %jit3A_129 : i32
      %sign3A_131 = arith.constant 0 : i32
      %sign3A_132 = arith.cmpi sgt, %add3A_99, %sign3A_131 : i32
      %sign3A_133 = arith.extui %sign3A_132 : i1 to i32
      %sign3A_134 = arith.constant 0 : i32
      %sign3A_135 = arith.cmpi slt, %add3A_99, %sign3A_134 : i32
      %sign3A_136 = arith.extui %sign3A_135 : i1 to i32
      %sign3A_137 = arith.subi %sign3A_133, %sign3A_136 : i32
      %sign3A_138 = arith.constant 0 : i32
      %sign3A_139 = arith.cmpi sgt, %jit3A_129, %sign3A_138 : i32
      %sign3A_140 = arith.extui %sign3A_139 : i1 to i32
      %sign3A_141 = arith.constant 0 : i32
      %sign3A_142 = arith.cmpi slt, %jit3A_129, %sign3A_141 : i32
      %sign3A_143 = arith.extui %sign3A_142 : i1 to i32
      %sign3A_144 = arith.subi %sign3A_140, %sign3A_143 : i32
      %ne3A_145 = arith.cmpi ne, %sign3A_137, %sign3A_144 : i32
      %rem3A_146 = arith.remsi %add3A_99, %jit3A_129 : i32
      %ne3A_147 = arith.constant 0 : i32
      %ne3A_148 = arith.cmpi ne, %rem3A_146, %ne3A_147 : i32
      %and3A_149 = arith.andi %ne3A_145, %ne3A_148 : i1
      %sub3A_150 = arith.constant 1 : i32
      %sub3A_151 = arith.subi %div3A_130, %sub3A_150 : i32
      %select_n3A_152 = arith.select %and3A_149, %sub3A_151, %div3A_130 : i32
      %add3A_153 = vector.broadcast %select_n3A_152 : i32 to vector<16xi32>
      %add3A_154 = arith.addi %add3A_64, %add3A_153 : vector<16xi32>
      %mul3A_155 = arith.mulf %sub3A_110, %sub3A_110 : vector<16xf32>
      %mul3A_156 = arith.mulf %sub3A_119, %sub3A_119 : vector<16xf32>
      %add3A_157 = arith.addf %mul3A_155, %mul3A_156 : vector<16xf32>
      %mul3A_158 = arith.mulf %sub3A_128, %sub3A_128 : vector<16xf32>
      %add3A_159 = arith.addf %add3A_157, %mul3A_158 : vector<16xf32>
      tpu.vector_store_idx %arg11[%add3A_154], %add3A_159 : memref<5120xf32, #tpu.memory_space<vmem>>[vector<16xi32>], vector<16xf32>,
      %get3A_160 = arith.index_cast %add3A_99 : i32 to index
      %get3A_161 = tpu.vector_load %arg8[%get3A_160] {strides = array<i32>} : memref<5120xi32, #tpu.memory_space<vmem>>, vector<16xi32>,
      tpu.vector_store_idx %arg10[%get3A_161], %broadcast_in_dim3A_16 {add = true} : memref<10112xf32, #tpu.memory_space<vmem>>[vector<16xi32>], vector<16xf32>,
      %mul3A_162 = arith.constant 64 : i32
      %mul3A_163 = arith.muli %scan3A_95, %mul3A_162 : i32
      %add3A_164 = arith.constant 16 : i32
      %add3A_165 = arith.addi %mul3A_163, %add3A_164 : i32
      %get3A_166 = arith.index_cast %add3A_165 : i32 to index
      %get3A_167 = tpu.vector_load %arg7[%get3A_166] {strides = array<i32>} : memref<5120xi32, #tpu.memory_space<vmem>>, vector<16xi32>,
      %mul3A_168 = arith.constant 4 : i32
      %mul3A_169 = vector.broadcast %mul3A_168 : i32 to vector<16xi32>
      %mul3A_170 = arith.muli %get3A_167, %mul3A_169 : vector<16xi32>
      %get3A_171 = arith.index_cast %add3A_165 : i32 to index
      %get3A_172 = tpu.vector_load %arg8[%get3A_171] {strides = array<i32>} : memref<5120xi32, #tpu.memory_space<vmem>>, vector<16xi32>,
      %mul3A_173 = arith.constant 4 : i32
      %mul3A_174 = vector.broadcast %mul3A_173 : i32 to vector<16xi32>
      %mul3A_175 = arith.muli %get3A_172, %mul3A_174 : vector<16xi32>
      %gather3A_176 = tpu.vector_load_idx %arg9[%mul3A_170] : memref<40448xf32, #tpu.memory_space<vmem>>[vector<16xi32>], vector<16xf32>,
      %gather3A_177 = tpu.vector_load_idx %arg9[%mul3A_175] : memref<40448xf32, #tpu.memory_space<vmem>>[vector<16xi32>], vector<16xf32>,
      %sub3A_178 = arith.subf %gather3A_176, %gather3A_177 : vector<16xf32>
      %add3A_179 = arith.constant 1 : i32
      %add3A_180 = vector.broadcast %add3A_179 : i32 to vector<16xi32>
      %add3A_181 = arith.addi %mul3A_170, %add3A_180 : vector<16xi32>
      %gather3A_182 = tpu.vector_load_idx %arg9[%add3A_181] : memref<40448xf32, #tpu.memory_space<vmem>>[vector<16xi32>], vector<16xf32>,
      %add3A_183 = arith.constant 1 : i32
      %add3A_184 = vector.broadcast %add3A_183 : i32 to vector<16xi32>
      %add3A_185 = arith.addi %mul3A_175, %add3A_184 : vector<16xi32>
      %gather3A_186 = tpu.vector_load_idx %arg9[%add3A_185] : memref<40448xf32, #tpu.memory_space<vmem>>[vector<16xi32>], vector<16xf32>,
      %sub3A_187 = arith.subf %gather3A_182, %gather3A_186 : vector<16xf32>
      %add3A_188 = arith.constant 2 : i32
      %add3A_189 = vector.broadcast %add3A_188 : i32 to vector<16xi32>
      %add3A_190 = arith.addi %mul3A_170, %add3A_189 : vector<16xi32>
      %gather3A_191 = tpu.vector_load_idx %arg9[%add3A_190] : memref<40448xf32, #tpu.memory_space<vmem>>[vector<16xi32>], vector<16xf32>,
      %add3A_192 = arith.constant 2 : i32
      %add3A_193 = vector.broadcast %add3A_192 : i32 to vector<16xi32>
      %add3A_194 = arith.addi %mul3A_175, %add3A_193 : vector<16xi32>
      %gather3A_195 = tpu.vector_load_idx %arg9[%add3A_194] : memref<40448xf32, #tpu.memory_space<vmem>>[vector<16xi32>], vector<16xf32>,
      %sub3A_196 = arith.subf %gather3A_191, %gather3A_195 : vector<16xf32>
      %jit3A_197 = arith.constant 8 : i32
      %div3A_198 = arith.divsi %add3A_165, %jit3A_197 : i32
      %sign3A_199 = arith.constant 0 : i32
      %sign3A_200 = arith.cmpi sgt, %add3A_165, %sign3A_199 : i32
      %sign3A_201 = arith.extui %sign3A_200 : i1 to i32
      %sign3A_202 = arith.constant 0 : i32
      %sign3A_203 = arith.cmpi slt, %add3A_165, %sign3A_202 : i32
      %sign3A_204 = arith.extui %sign3A_203 : i1 to i32
      %sign3A_205 = arith.subi %sign3A_201, %sign3A_204 : i32
      %sign3A_206 = arith.constant 0 : i32
      %sign3A_207 = arith.cmpi sgt, %jit3A_197, %sign3A_206 : i32
      %sign3A_208 = arith.extui %sign3A_207 : i1 to i32
      %sign3A_209 = arith.constant 0 : i32
      %sign3A_210 = arith.cmpi slt, %jit3A_197, %sign3A_209 : i32
      %sign3A_211 = arith.extui %sign3A_210 : i1 to i32
      %sign3A_212 = arith.subi %sign3A_208, %sign3A_211 : i32
      %ne3A_213 = arith.cmpi ne, %sign3A_205, %sign3A_212 : i32
      %rem3A_214 = arith.remsi %add3A_165, %jit3A_197 : i32
      %ne3A_215 = arith.constant 0 : i32
      %ne3A_216 = arith.cmpi ne, %rem3A_214, %ne3A_215 : i32
      %and3A_217 = arith.andi %ne3A_213, %ne3A_216 : i1
      %sub3A_218 = arith.constant 1 : i32
      %sub3A_219 = arith.subi %div3A_198, %sub3A_218 : i32
      %select_n3A_220 = arith.select %and3A_217, %sub3A_219, %div3A_198 : i32
      %add3A_221 = vector.broadcast %select_n3A_220 : i32 to vector<16xi32>
      %add3A_222 = arith.addi %add3A_64, %add3A_221 : vector<16xi32>
      %mul3A_223 = arith.mulf %sub3A_178, %sub3A_178 : vector<16xf32>
      %mul3A_224 = arith.mulf %sub3A_187, %sub3A_187 : vector<16xf32>
      %add3A_225 = arith.addf %mul3A_223, %mul3A_224 : vector<16xf32>
      %mul3A_226 = arith.mulf %sub3A_196, %sub3A_196 : vector<16xf32>
      %add3A_227 = arith.addf %add3A_225, %mul3A_226 : vector<16xf32>
      tpu.vector_store_idx %arg11[%add3A_222], %add3A_227 : memref<5120xf32, #tpu.memory_space<vmem>>[vector<16xi32>], vector<16xf32>,
      %get3A_228 = arith.index_cast %add3A_165 : i32 to index
      %get3A_229 = tpu.vector_load %arg8[%get3A_228] {strides = array<i32>} : memref<5120xi32, #tpu.memory_space<vmem>>, vector<16xi32>,
      tpu.vector_store_idx %arg10[%get3A_229], %broadcast_in_dim3A_16 {add = true} : memref<10112xf32, #tpu.memory_space<vmem>>[vector<16xi32>], vector<16xf32>,
      %mul3A_230 = arith.constant 64 : i32
      %mul3A_231 = arith.muli %scan3A_95, %mul3A_230 : i32
      %add3A_232 = arith.constant 32 : i32
      %add3A_233 = arith.addi %mul3A_231, %add3A_232 : i32
      %get3A_234 = arith.index_cast %add3A_233 : i32 to index
      %get3A_235 = tpu.vector_load %arg7[%get3A_234] {strides = array<i32>} : memref<5120xi32, #tpu.memory_space<vmem>>, vector<16xi32>,
      %mul3A_236 = arith.constant 4 : i32
      %mul3A_237 = vector.broadcast %mul3A_236 : i32 to vector<16xi32>
      %mul3A_238 = arith.muli %get3A_235, %mul3A_237 : vector<16xi32>
      %get3A_239 = arith.index_cast %add3A_233 : i32 to index
      %get3A_240 = tpu.vector_load %arg8[%get3A_239] {strides = array<i32>} : memref<5120xi32, #tpu.memory_space<vmem>>, vector<16xi32>,
      %mul3A_241 = arith.constant 4 : i32
      %mul3A_242 = vector.broadcast %mul3A_241 : i32 to vector<16xi32>
      %mul3A_243 = arith.muli %get3A_240, %mul3A_242 : vector<16xi32>
      %gather3A_244 = tpu.vector_load_idx %arg9[%mul3A_238] : memref<40448xf32, #tpu.memory_space<vmem>>[vector<16xi32>], vector<16xf32>,
      %gather3A_245 = tpu.vector_load_idx %arg9[%mul3A_243] : memref<40448xf32, #tpu.memory_space<vmem>>[vector<16xi32>], vector<16xf32>,
      %sub3A_246 = arith.subf %gather3A_244, %gather3A_245 : vector<16xf32>
      %add3A_247 = arith.constant 1 : i32
      %add3A_248 = vector.broadcast %add3A_247 : i32 to vector<16xi32>
      %add3A_249 = arith.addi %mul3A_238, %add3A_248 : vector<16xi32>
      %gather3A_250 = tpu.vector_load_idx %arg9[%add3A_249] : memref<40448xf32, #tpu.memory_space<vmem>>[vector<16xi32>], vector<16xf32>,
      %add3A_251 = arith.constant 1 : i32
      %add3A_252 = vector.broadcast %add3A_251 : i32 to vector<16xi32>
      %add3A_253 = arith.addi %mul3A_243, %add3A_252 : vector<16xi32>
      %gather3A_254 = tpu.vector_load_idx %arg9[%add3A_253] : memref<40448xf32, #tpu.memory_space<vmem>>[vector<16xi32>], vector<16xf32>,
      %sub3A_255 = arith.subf %gather3A_250, %gather3A_254 : vector<16xf32>
      %add3A_256 = arith.constant 2 : i32
      %add3A_257 = vector.broadcast %add3A_256 : i32 to vector<16xi32>
      %add3A_258 = arith.addi %mul3A_238, %add3A_257 : vector<16xi32>
      %gather3A_259 = tpu.vector_load_idx %arg9[%add3A_258] : memref<40448xf32, #tpu.memory_space<vmem>>[vector<16xi32>], vector<16xf32>,
      %add3A_260 = arith.constant 2 : i32
      %add3A_261 = vector.broadcast %add3A_260 : i32 to vector<16xi32>
      %add3A_262 = arith.addi %mul3A_243, %add3A_261 : vector<16xi32>
      %gather3A_263 = tpu.vector_load_idx %arg9[%add3A_262] : memref<40448xf32, #tpu.memory_space<vmem>>[vector<16xi32>], vector<16xf32>,
      %sub3A_264 = arith.subf %gather3A_259, %gather3A_263 : vector<16xf32>
      %jit3A_265 = arith.constant 8 : i32
      %div3A_266 = arith.divsi %add3A_233, %jit3A_265 : i32
      %sign3A_267 = arith.constant 0 : i32
      %sign3A_268 = arith.cmpi sgt, %add3A_233, %sign3A_267 : i32
      %sign3A_269 = arith.extui %sign3A_268 : i1 to i32
      %sign3A_270 = arith.constant 0 : i32
      %sign3A_271 = arith.cmpi slt, %add3A_233, %sign3A_270 : i32
      %sign3A_272 = arith.extui %sign3A_271 : i1 to i32
      %sign3A_273 = arith.subi %sign3A_269, %sign3A_272 : i32
      %sign3A_274 = arith.constant 0 : i32
      %sign3A_275 = arith.cmpi sgt, %jit3A_265, %sign3A_274 : i32
      %sign3A_276 = arith.extui %sign3A_275 : i1 to i32
      %sign3A_277 = arith.constant 0 : i32
      %sign3A_278 = arith.cmpi slt, %jit3A_265, %sign3A_277 : i32
      %sign3A_279 = arith.extui %sign3A_278 : i1 to i32
      %sign3A_280 = arith.subi %sign3A_276, %sign3A_279 : i32
      %ne3A_281 = arith.cmpi ne, %sign3A_273, %sign3A_280 : i32
      %rem3A_282 = arith.remsi %add3A_233, %jit3A_265 : i32
      %ne3A_283 = arith.constant 0 : i32
      %ne3A_284 = arith.cmpi ne, %rem3A_282, %ne3A_283 : i32
      %and3A_285 = arith.andi %ne3A_281, %ne3A_284 : i1
      %sub3A_286 = arith.constant 1 : i32
      %sub3A_287 = arith.subi %div3A_266, %sub3A_286 : i32
      %select_n3A_288 = arith.select %and3A_285, %sub3A_287, %div3A_266 : i32
      %add3A_289 = vector.broadcast %select_n3A_288 : i32 to vector<16xi32>
      %add3A_290 = arith.addi %add3A_64, %add3A_289 : vector<16xi32>
      %mul3A_291 = arith.mulf %sub3A_246, %sub3A_246 : vector<16xf32>
      %mul3A_292 = arith.mulf %sub3A_255, %sub3A_255 : vector<16xf32>
      %add3A_293 = arith.addf %mul3A_291, %mul3A_292 : vector<16xf32>
      %mul3A_294 = arith.mulf %sub3A_264, %sub3A_264 : vector<16xf32>
      %add3A_295 = arith.addf %add3A_293, %mul3A_294 : vector<16xf32>
      tpu.vector_store_idx %arg11[%add3A_290], %add3A_295 : memref<5120xf32, #tpu.memory_space<vmem>>[vector<16xi32>], vector<16xf32>,
      %get3A_296 = arith.index_cast %add3A_233 : i32 to index
      %get3A_297 = tpu.vector_load %arg8[%get3A_296] {strides = array<i32>} : memref<5120xi32, #tpu.memory_space<vmem>>, vector<16xi32>,
      tpu.vector_store_idx %arg10[%get3A_297], %broadcast_in_dim3A_16 {add = true} : memref<10112xf32, #tpu.memory_space<vmem>>[vector<16xi32>], vector<16xf32>,
      %mul3A_298 = arith.constant 64 : i32
      %mul3A_299 = arith.muli %scan3A_95, %mul3A_298 : i32
      %add3A_300 = arith.constant 48 : i32
      %add3A_301 = arith.addi %mul3A_299, %add3A_300 : i32
      %get3A_302 = arith.index_cast %add3A_301 : i32 to index
      %get3A_303 = tpu.vector_load %arg7[%get3A_302] {strides = array<i32>} : memref<5120xi32, #tpu.memory_space<vmem>>, vector<16xi32>,
      %mul3A_304 = arith.constant 4 : i32
      %mul3A_305 = vector.broadcast %mul3A_304 : i32 to vector<16xi32>
      %mul3A_306 = arith.muli %get3A_303, %mul3A_305 : vector<16xi32>
      %get3A_307 = arith.index_cast %add3A_301 : i32 to index
      %get3A_308 = tpu.vector_load %arg8[%get3A_307] {strides = array<i32>} : memref<5120xi32, #tpu.memory_space<vmem>>, vector<16xi32>,
      %mul3A_309 = arith.constant 4 : i32
      %mul3A_310 = vector.broadcast %mul3A_309 : i32 to vector<16xi32>
      %mul3A_311 = arith.muli %get3A_308, %mul3A_310 : vector<16xi32>
      %gather3A_312 = tpu.vector_load_idx %arg9[%mul3A_306] : memref<40448xf32, #tpu.memory_space<vmem>>[vector<16xi32>], vector<16xf32>,
      %gather3A_313 = tpu.vector_load_idx %arg9[%mul3A_311] : memref<40448xf32, #tpu.memory_space<vmem>>[vector<16xi32>], vector<16xf32>,
      %sub3A_314 = arith.subf %gather3A_312, %gather3A_313 : vector<16xf32>
      %add3A_315 = arith.constant 1 : i32
      %add3A_316 = vector.broadcast %add3A_315 : i32 to vector<16xi32>
      %add3A_317 = arith.addi %mul3A_306, %add3A_316 : vector<16xi32>
      %gather3A_318 = tpu.vector_load_idx %arg9[%add3A_317] : memref<40448xf32, #tpu.memory_space<vmem>>[vector<16xi32>], vector<16xf32>,
      %add3A_319 = arith.constant 1 : i32
      %add3A_320 = vector.broadcast %add3A_319 : i32 to vector<16xi32>
      %add3A_321 = arith.addi %mul3A_311, %add3A_320 : vector<16xi32>
      %gather3A_322 = tpu.vector_load_idx %arg9[%add3A_321] : memref<40448xf32, #tpu.memory_space<vmem>>[vector<16xi32>], vector<16xf32>,
      %sub3A_323 = arith.subf %gather3A_318, %gather3A_322 : vector<16xf32>
      %add3A_324 = arith.constant 2 : i32
      %add3A_325 = vector.broadcast %add3A_324 : i32 to vector<16xi32>
      %add3A_326 = arith.addi %mul3A_306, %add3A_325 : vector<16xi32>
      %gather3A_327 = tpu.vector_load_idx %arg9[%add3A_326] : memref<40448xf32, #tpu.memory_space<vmem>>[vector<16xi32>], vector<16xf32>,
      %add3A_328 = arith.constant 2 : i32
      %add3A_329 = vector.broadcast %add3A_328 : i32 to vector<16xi32>
      %add3A_330 = arith.addi %mul3A_311, %add3A_329 : vector<16xi32>
      %gather3A_331 = tpu.vector_load_idx %arg9[%add3A_330] : memref<40448xf32, #tpu.memory_space<vmem>>[vector<16xi32>], vector<16xf32>,
      %sub3A_332 = arith.subf %gather3A_327, %gather3A_331 : vector<16xf32>
      %jit3A_333 = arith.constant 8 : i32
      %div3A_334 = arith.divsi %add3A_301, %jit3A_333 : i32
      %sign3A_335 = arith.constant 0 : i32
      %sign3A_336 = arith.cmpi sgt, %add3A_301, %sign3A_335 : i32
      %sign3A_337 = arith.extui %sign3A_336 : i1 to i32
      %sign3A_338 = arith.constant 0 : i32
      %sign3A_339 = arith.cmpi slt, %add3A_301, %sign3A_338 : i32
      %sign3A_340 = arith.extui %sign3A_339 : i1 to i32
      %sign3A_341 = arith.subi %sign3A_337, %sign3A_340 : i32
      %sign3A_342 = arith.constant 0 : i32
      %sign3A_343 = arith.cmpi sgt, %jit3A_333, %sign3A_342 : i32
      %sign3A_344 = arith.extui %sign3A_343 : i1 to i32
      %sign3A_345 = arith.constant 0 : i32
      %sign3A_346 = arith.cmpi slt, %jit3A_333, %sign3A_345 : i32
      %sign3A_347 = arith.extui %sign3A_346 : i1 to i32
      %sign3A_348 = arith.subi %sign3A_344, %sign3A_347 : i32
      %ne3A_349 = arith.cmpi ne, %sign3A_341, %sign3A_348 : i32
      %rem3A_350 = arith.remsi %add3A_301, %jit3A_333 : i32
      %ne3A_351 = arith.constant 0 : i32
      %ne3A_352 = arith.cmpi ne, %rem3A_350, %ne3A_351 : i32
      %and3A_353 = arith.andi %ne3A_349, %ne3A_352 : i1
      %sub3A_354 = arith.constant 1 : i32
      %sub3A_355 = arith.subi %div3A_334, %sub3A_354 : i32
      %select_n3A_356 = arith.select %and3A_353, %sub3A_355, %div3A_334 : i32
      %add3A_357 = vector.broadcast %select_n3A_356 : i32 to vector<16xi32>
      %add3A_358 = arith.addi %add3A_64, %add3A_357 : vector<16xi32>
      %mul3A_359 = arith.mulf %sub3A_314, %sub3A_314 : vector<16xf32>
      %mul3A_360 = arith.mulf %sub3A_323, %sub3A_323 : vector<16xf32>
      %add3A_361 = arith.addf %mul3A_359, %mul3A_360 : vector<16xf32>
      %mul3A_362 = arith.mulf %sub3A_332, %sub3A_332 : vector<16xf32>
      %add3A_363 = arith.addf %add3A_361, %mul3A_362 : vector<16xf32>
      tpu.vector_store_idx %arg11[%add3A_358], %add3A_363 : memref<5120xf32, #tpu.memory_space<vmem>>[vector<16xi32>], vector<16xf32>,
      %get3A_364 = arith.index_cast %add3A_301 : i32 to index
      %get3A_365 = tpu.vector_load %arg8[%get3A_364] {strides = array<i32>} : memref<5120xi32, #tpu.memory_space<vmem>>, vector<16xi32>,
      tpu.vector_store_idx %arg10[%get3A_365], %broadcast_in_dim3A_16 {add = true} : memref<10112xf32, #tpu.memory_space<vmem>>[vector<16xi32>], vector<16xf32>,
    }
    %scan3A_70 = arith.constant 80 : i32
    %mul3A_71 = arith.constant 640 : i32
    %mul3A_72 = arith.muli %add3A, %mul3A_71 : i32
    %run_scoped3A_73 = arith.constant 0 : i32
    "tpu.region"() ({
      %run_scoped3A_95 = tpu.sem_alloc : memref<!tpu.dma_semaphore, #tpu.memory_space<semaphore_mem>>
      %dma_start3A = arith.constant 0 : i32
      %dma_start3A_96 = tpu.memref_slice %arg11[%dma_start3A] : memref<5120xf32, #tpu.memory_space<vmem>> -> memref<640xf32, #tpu.memory_space<vmem>>
      %dma_start3A_97 = arith.constant 0 : i32
      %dma_start3A_98 = tpu.memref_slice %arg4[%run_scoped3A_73, %dma_start3A_97] : memref<8x20480xf32, #tpu.memory_space<hbm>> -> memref<1x20480xf32, #tpu.memory_space<hbm>>
      %dma_start3A_99 = tpu.memref_squeeze %dma_start3A_98 : memref<1x20480xf32, #tpu.memory_space<hbm>> -> memref<20480xf32, #tpu.memory_space<hbm>>
      %dma_start3A_100 = tpu.memref_slice %dma_start3A_99[%mul3A_72] : memref<20480xf32, #tpu.memory_space<hbm>> -> memref<640xf32, #tpu.memory_space<hbm>>
      %dma_start3A_101 = arith.constant 0 : i32
      %dma_start3A_102 = tpu.memref_slice %arg4[%run_scoped3A_73, %dma_start3A_101] : memref<8x20480xf32, #tpu.memory_space<hbm>> -> memref<1x20480xf32, #tpu.memory_space<hbm>>
      %dma_start3A_103 = tpu.memref_squeeze %dma_start3A_102 : memref<1x20480xf32, #tpu.memory_space<hbm>> -> memref<20480xf32, #tpu.memory_space<hbm>>
      %dma_start3A_104 = tpu.memref_slice %dma_start3A_103[%mul3A_72] : memref<20480xf32, #tpu.memory_space<hbm>> -> memref<640xf32, #tpu.memory_space<hbm>>
      %dma_start3A_105 = arith.constant 0 : i32
      %dma_start3A_106 = tpu.memref_slice %arg11[%dma_start3A_105] : memref<5120xf32, #tpu.memory_space<vmem>> -> memref<640xf32, #tpu.memory_space<vmem>>
      tpu.enqueue_dma source(%dma_start3A_106 : memref<640xf32, #tpu.memory_space<vmem>>) target(%dma_start3A_104 : memref<640xf32, #tpu.memory_space<hbm>>) target_semaphore(%run_scoped3A_95 : memref<!tpu.dma_semaphore, #tpu.memory_space<semaphore_mem>>)
      %dma_wait3A = arith.constant 0 : i32
      %dma_wait3A_107 = tpu.memref_slice %arg11[%dma_wait3A] : memref<5120xf32, #tpu.memory_space<vmem>> -> memref<640xf32, #tpu.memory_space<vmem>>
      %dma_wait3A_108 = arith.constant 0 : i32
      %dma_wait3A_109 = tpu.memref_slice %arg4[%run_scoped3A_73, %dma_wait3A_108] : memref<8x20480xf32, #tpu.memory_space<hbm>> -> memref<1x20480xf32, #tpu.memory_space<hbm>>
      %dma_wait3A_110 = tpu.memref_squeeze %dma_wait3A_109 : memref<1x20480xf32, #tpu.memory_space<hbm>> -> memref<20480xf32, #tpu.memory_space<hbm>>
      %dma_wait3A_111 = tpu.memref_slice %dma_wait3A_110[%mul3A_72] : memref<20480xf32, #tpu.memory_space<hbm>> -> memref<640xf32, #tpu.memory_space<hbm>>
      %dma_wait3A_112 = arith.constant 0 : i32
      %dma_wait3A_113 = tpu.memref_slice %arg4[%run_scoped3A_73, %dma_wait3A_112] : memref<8x20480xf32, #tpu.memory_space<hbm>> -> memref<1x20480xf32, #tpu.memory_space<hbm>>
      %dma_wait3A_114 = tpu.memref_squeeze %dma_wait3A_113 : memref<1x20480xf32, #tpu.memory_space<hbm>> -> memref<20480xf32, #tpu.memory_space<hbm>>
      %dma_wait3A_115 = tpu.memref_slice %dma_wait3A_114[%mul3A_72] : memref<20480xf32, #tpu.memory_space<hbm>> -> memref<640xf32, #tpu.memory_space<hbm>>
      %dma_wait3A_116 = arith.constant 0 : i32
      %dma_wait3A_117 = tpu.memref_slice %arg11[%dma_wait3A_116] : memref<5120xf32, #tpu.memory_space<vmem>> -> memref<640xf32, #tpu.memory_space<vmem>>
      tpu.wait_dma2 semaphore(%run_scoped3A_95 : memref<!tpu.dma_semaphore, #tpu.memory_space<semaphore_mem>>) src(%dma_wait3A_117 : memref<640xf32, #tpu.memory_space<vmem>>) dst(%dma_wait3A_115 : memref<640xf32, #tpu.memory_space<hbm>>)
      tpu.yield
    }) : () -> ()
    %mul3A_74 = arith.constant 640 : i32
    %mul3A_75 = arith.muli %add3A, %mul3A_74 : i32
    %run_scoped3A_76 = arith.constant 1 : i32
    "tpu.region"() ({
      %run_scoped3A_95 = tpu.sem_alloc : memref<!tpu.dma_semaphore, #tpu.memory_space<semaphore_mem>>
      %dma_start3A = arith.constant 640 : i32
      %dma_start3A_96 = tpu.memref_slice %arg11[%dma_start3A] : memref<5120xf32, #tpu.memory_space<vmem>> -> memref<640xf32, #tpu.memory_space<vmem>>
      %dma_start3A_97 = arith.constant 0 : i32
      %dma_start3A_98 = tpu.memref_slice %arg4[%run_scoped3A_76, %dma_start3A_97] : memref<8x20480xf32, #tpu.memory_space<hbm>> -> memref<1x20480xf32, #tpu.memory_space<hbm>>
      %dma_start3A_99 = tpu.memref_squeeze %dma_start3A_98 : memref<1x20480xf32, #tpu.memory_space<hbm>> -> memref<20480xf32, #tpu.memory_space<hbm>>
      %dma_start3A_100 = tpu.memref_slice %dma_start3A_99[%mul3A_75] : memref<20480xf32, #tpu.memory_space<hbm>> -> memref<640xf32, #tpu.memory_space<hbm>>
      %dma_start3A_101 = arith.constant 0 : i32
      %dma_start3A_102 = tpu.memref_slice %arg4[%run_scoped3A_76, %dma_start3A_101] : memref<8x20480xf32, #tpu.memory_space<hbm>> -> memref<1x20480xf32, #tpu.memory_space<hbm>>
      %dma_start3A_103 = tpu.memref_squeeze %dma_start3A_102 : memref<1x20480xf32, #tpu.memory_space<hbm>> -> memref<20480xf32, #tpu.memory_space<hbm>>
      %dma_start3A_104 = tpu.memref_slice %dma_start3A_103[%mul3A_75] : memref<20480xf32, #tpu.memory_space<hbm>> -> memref<640xf32, #tpu.memory_space<hbm>>
      %dma_start3A_105 = arith.constant 640 : i32
      %dma_start3A_106 = tpu.memref_slice %arg11[%dma_start3A_105] : memref<5120xf32, #tpu.memory_space<vmem>> -> memref<640xf32, #tpu.memory_space<vmem>>
      tpu.enqueue_dma source(%dma_start3A_106 : memref<640xf32, #tpu.memory_space<vmem>>) target(%dma_start3A_104 : memref<640xf32, #tpu.memory_space<hbm>>) target_semaphore(%run_scoped3A_95 : memref<!tpu.dma_semaphore, #tpu.memory_space<semaphore_mem>>)
      %dma_wait3A = arith.constant 640 : i32
      %dma_wait3A_107 = tpu.memref_slice %arg11[%dma_wait3A] : memref<5120xf32, #tpu.memory_space<vmem>> -> memref<640xf32, #tpu.memory_space<vmem>>
      %dma_wait3A_108 = arith.constant 0 : i32
      %dma_wait3A_109 = tpu.memref_slice %arg4[%run_scoped3A_76, %dma_wait3A_108] : memref<8x20480xf32, #tpu.memory_space<hbm>> -> memref<1x20480xf32, #tpu.memory_space<hbm>>
      %dma_wait3A_110 = tpu.memref_squeeze %dma_wait3A_109 : memref<1x20480xf32, #tpu.memory_space<hbm>> -> memref<20480xf32, #tpu.memory_space<hbm>>
      %dma_wait3A_111 = tpu.memref_slice %dma_wait3A_110[%mul3A_75] : memref<20480xf32, #tpu.memory_space<hbm>> -> memref<640xf32, #tpu.memory_space<hbm>>
      %dma_wait3A_112 = arith.constant 0 : i32
      %dma_wait3A_113 = tpu.memref_slice %arg4[%run_scoped3A_76, %dma_wait3A_112] : memref<8x20480xf32, #tpu.memory_space<hbm>> -> memref<1x20480xf32, #tpu.memory_space<hbm>>
      %dma_wait3A_114 = tpu.memref_squeeze %dma_wait3A_113 : memref<1x20480xf32, #tpu.memory_space<hbm>> -> memref<20480xf32, #tpu.memory_space<hbm>>
      %dma_wait3A_115 = tpu.memref_slice %dma_wait3A_114[%mul3A_75] : memref<20480xf32, #tpu.memory_space<hbm>> -> memref<640xf32, #tpu.memory_space<hbm>>
      %dma_wait3A_116 = arith.constant 640 : i32
      %dma_wait3A_117 = tpu.memref_slice %arg11[%dma_wait3A_116] : memref<5120xf32, #tpu.memory_space<vmem>> -> memref<640xf32, #tpu.memory_space<vmem>>
      tpu.wait_dma2 semaphore(%run_scoped3A_95 : memref<!tpu.dma_semaphore, #tpu.memory_space<semaphore_mem>>) src(%dma_wait3A_117 : memref<640xf32, #tpu.memory_space<vmem>>) dst(%dma_wait3A_115 : memref<640xf32, #tpu.memory_space<hbm>>)
      tpu.yield
    }) : () -> ()
    %mul3A_77 = arith.constant 640 : i32
    %mul3A_78 = arith.muli %add3A, %mul3A_77 : i32
    %run_scoped3A_79 = arith.constant 2 : i32
    "tpu.region"() ({
      %run_scoped3A_95 = tpu.sem_alloc : memref<!tpu.dma_semaphore, #tpu.memory_space<semaphore_mem>>
      %dma_start3A = arith.constant 1280 : i32
      %dma_start3A_96 = tpu.memref_slice %arg11[%dma_start3A] : memref<5120xf32, #tpu.memory_space<vmem>> -> memref<640xf32, #tpu.memory_space<vmem>>
      %dma_start3A_97 = arith.constant 0 : i32
      %dma_start3A_98 = tpu.memref_slice %arg4[%run_scoped3A_79, %dma_start3A_97] : memref<8x20480xf32, #tpu.memory_space<hbm>> -> memref<1x20480xf32, #tpu.memory_space<hbm>>
      %dma_start3A_99 = tpu.memref_squeeze %dma_start3A_98 : memref<1x20480xf32, #tpu.memory_space<hbm>> -> memref<20480xf32, #tpu.memory_space<hbm>>
      %dma_start3A_100 = tpu.memref_slice %dma_start3A_99[%mul3A_78] : memref<20480xf32, #tpu.memory_space<hbm>> -> memref<640xf32, #tpu.memory_space<hbm>>
      %dma_start3A_101 = arith.constant 0 : i32
      %dma_start3A_102 = tpu.memref_slice %arg4[%run_scoped3A_79, %dma_start3A_101] : memref<8x20480xf32, #tpu.memory_space<hbm>> -> memref<1x20480xf32, #tpu.memory_space<hbm>>
      %dma_start3A_103 = tpu.memref_squeeze %dma_start3A_102 : memref<1x20480xf32, #tpu.memory_space<hbm>> -> memref<20480xf32, #tpu.memory_space<hbm>>
      %dma_start3A_104 = tpu.memref_slice %dma_start3A_103[%mul3A_78] : memref<20480xf32, #tpu.memory_space<hbm>> -> memref<640xf32, #tpu.memory_space<hbm>>
      %dma_start3A_105 = arith.constant 1280 : i32
      %dma_start3A_106 = tpu.memref_slice %arg11[%dma_start3A_105] : memref<5120xf32, #tpu.memory_space<vmem>> -> memref<640xf32, #tpu.memory_space<vmem>>
      tpu.enqueue_dma source(%dma_start3A_106 : memref<640xf32, #tpu.memory_space<vmem>>) target(%dma_start3A_104 : memref<640xf32, #tpu.memory_space<hbm>>) target_semaphore(%run_scoped3A_95 : memref<!tpu.dma_semaphore, #tpu.memory_space<semaphore_mem>>)
      %dma_wait3A = arith.constant 1280 : i32
      %dma_wait3A_107 = tpu.memref_slice %arg11[%dma_wait3A] : memref<5120xf32, #tpu.memory_space<vmem>> -> memref<640xf32, #tpu.memory_space<vmem>>
      %dma_wait3A_108 = arith.constant 0 : i32
      %dma_wait3A_109 = tpu.memref_slice %arg4[%run_scoped3A_79, %dma_wait3A_108] : memref<8x20480xf32, #tpu.memory_space<hbm>> -> memref<1x20480xf32, #tpu.memory_space<hbm>>
      %dma_wait3A_110 = tpu.memref_squeeze %dma_wait3A_109 : memref<1x20480xf32, #tpu.memory_space<hbm>> -> memref<20480xf32, #tpu.memory_space<hbm>>
      %dma_wait3A_111 = tpu.memref_slice %dma_wait3A_110[%mul3A_78] : memref<20480xf32, #tpu.memory_space<hbm>> -> memref<640xf32, #tpu.memory_space<hbm>>
      %dma_wait3A_112 = arith.constant 0 : i32
      %dma_wait3A_113 = tpu.memref_slice %arg4[%run_scoped3A_79, %dma_wait3A_112] : memref<8x20480xf32, #tpu.memory_space<hbm>> -> memref<1x20480xf32, #tpu.memory_space<hbm>>
      %dma_wait3A_114 = tpu.memref_squeeze %dma_wait3A_113 : memref<1x20480xf32, #tpu.memory_space<hbm>> -> memref<20480xf32, #tpu.memory_space<hbm>>
      %dma_wait3A_115 = tpu.memref_slice %dma_wait3A_114[%mul3A_78] : memref<20480xf32, #tpu.memory_space<hbm>> -> memref<640xf32, #tpu.memory_space<hbm>>
      %dma_wait3A_116 = arith.constant 1280 : i32
      %dma_wait3A_117 = tpu.memref_slice %arg11[%dma_wait3A_116] : memref<5120xf32, #tpu.memory_space<vmem>> -> memref<640xf32, #tpu.memory_space<vmem>>
      tpu.wait_dma2 semaphore(%run_scoped3A_95 : memref<!tpu.dma_semaphore, #tpu.memory_space<semaphore_mem>>) src(%dma_wait3A_117 : memref<640xf32, #tpu.memory_space<vmem>>) dst(%dma_wait3A_115 : memref<640xf32, #tpu.memory_space<hbm>>)
      tpu.yield
    }) : () -> ()
    %mul3A_80 = arith.constant 640 : i32
    %mul3A_81 = arith.muli %add3A, %mul3A_80 : i32
    %run_scoped3A_82 = arith.constant 3 : i32
    "tpu.region"() ({
      %run_scoped3A_95 = tpu.sem_alloc : memref<!tpu.dma_semaphore, #tpu.memory_space<semaphore_mem>>
      %dma_start3A = arith.constant 1920 : i32
      %dma_start3A_96 = tpu.memref_slice %arg11[%dma_start3A] : memref<5120xf32, #tpu.memory_space<vmem>> -> memref<640xf32, #tpu.memory_space<vmem>>
      %dma_start3A_97 = arith.constant 0 : i32
      %dma_start3A_98 = tpu.memref_slice %arg4[%run_scoped3A_82, %dma_start3A_97] : memref<8x20480xf32, #tpu.memory_space<hbm>> -> memref<1x20480xf32, #tpu.memory_space<hbm>>
      %dma_start3A_99 = tpu.memref_squeeze %dma_start3A_98 : memref<1x20480xf32, #tpu.memory_space<hbm>> -> memref<20480xf32, #tpu.memory_space<hbm>>
      %dma_start3A_100 = tpu.memref_slice %dma_start3A_99[%mul3A_81] : memref<20480xf32, #tpu.memory_space<hbm>> -> memref<640xf32, #tpu.memory_space<hbm>>
      %dma_start3A_101 = arith.constant 0 : i32
      %dma_start3A_102 = tpu.memref_slice %arg4[%run_scoped3A_82, %dma_start3A_101] : memref<8x20480xf32, #tpu.memory_space<hbm>> -> memref<1x20480xf32, #tpu.memory_space<hbm>>
      %dma_start3A_103 = tpu.memref_squeeze %dma_start3A_102 : memref<1x20480xf32, #tpu.memory_space<hbm>> -> memref<20480xf32, #tpu.memory_space<hbm>>
      %dma_start3A_104 = tpu.memref_slice %dma_start3A_103[%mul3A_81] : memref<20480xf32, #tpu.memory_space<hbm>> -> memref<640xf32, #tpu.memory_space<hbm>>
      %dma_start3A_105 = arith.constant 1920 : i32
      %dma_start3A_106 = tpu.memref_slice %arg11[%dma_start3A_105] : memref<5120xf32, #tpu.memory_space<vmem>> -> memref<640xf32, #tpu.memory_space<vmem>>
      tpu.enqueue_dma source(%dma_start3A_106 : memref<640xf32, #tpu.memory_space<vmem>>) target(%dma_start3A_104 : memref<640xf32, #tpu.memory_space<hbm>>) target_semaphore(%run_scoped3A_95 : memref<!tpu.dma_semaphore, #tpu.memory_space<semaphore_mem>>)
      %dma_wait3A = arith.constant 1920 : i32
      %dma_wait3A_107 = tpu.memref_slice %arg11[%dma_wait3A] : memref<5120xf32, #tpu.memory_space<vmem>> -> memref<640xf32, #tpu.memory_space<vmem>>
      %dma_wait3A_108 = arith.constant 0 : i32
      %dma_wait3A_109 = tpu.memref_slice %arg4[%run_scoped3A_82, %dma_wait3A_108] : memref<8x20480xf32, #tpu.memory_space<hbm>> -> memref<1x20480xf32, #tpu.memory_space<hbm>>
      %dma_wait3A_110 = tpu.memref_squeeze %dma_wait3A_109 : memref<1x20480xf32, #tpu.memory_space<hbm>> -> memref<20480xf32, #tpu.memory_space<hbm>>
      %dma_wait3A_111 = tpu.memref_slice %dma_wait3A_110[%mul3A_81] : memref<20480xf32, #tpu.memory_space<hbm>> -> memref<640xf32, #tpu.memory_space<hbm>>
      %dma_wait3A_112 = arith.constant 0 : i32
      %dma_wait3A_113 = tpu.memref_slice %arg4[%run_scoped3A_82, %dma_wait3A_112] : memref<8x20480xf32, #tpu.memory_space<hbm>> -> memref<1x20480xf32, #tpu.memory_space<hbm>>
      %dma_wait3A_114 = tpu.memref_squeeze %dma_wait3A_113 : memref<1x20480xf32, #tpu.memory_space<hbm>> -> memref<20480xf32, #tpu.memory_space<hbm>>
      %dma_wait3A_115 = tpu.memref_slice %dma_wait3A_114[%mul3A_81] : memref<20480xf32, #tpu.memory_space<hbm>> -> memref<640xf32, #tpu.memory_space<hbm>>
      %dma_wait3A_116 = arith.constant 1920 : i32
      %dma_wait3A_117 = tpu.memref_slice %arg11[%dma_wait3A_116] : memref<5120xf32, #tpu.memory_space<vmem>> -> memref<640xf32, #tpu.memory_space<vmem>>
      tpu.wait_dma2 semaphore(%run_scoped3A_95 : memref<!tpu.dma_semaphore, #tpu.memory_space<semaphore_mem>>) src(%dma_wait3A_117 : memref<640xf32, #tpu.memory_space<vmem>>) dst(%dma_wait3A_115 : memref<640xf32, #tpu.memory_space<hbm>>)
      tpu.yield
    }) : () -> ()
    %mul3A_83 = arith.constant 640 : i32
    %mul3A_84 = arith.muli %add3A, %mul3A_83 : i32
    %run_scoped3A_85 = arith.constant 4 : i32
    "tpu.region"() ({
      %run_scoped3A_95 = tpu.sem_alloc : memref<!tpu.dma_semaphore, #tpu.memory_space<semaphore_mem>>
      %dma_start3A = arith.constant 2560 : i32
      %dma_start3A_96 = tpu.memref_slice %arg11[%dma_start3A] : memref<5120xf32, #tpu.memory_space<vmem>> -> memref<640xf32, #tpu.memory_space<vmem>>
      %dma_start3A_97 = arith.constant 0 : i32
      %dma_start3A_98 = tpu.memref_slice %arg4[%run_scoped3A_85, %dma_start3A_97] : memref<8x20480xf32, #tpu.memory_space<hbm>> -> memref<1x20480xf32, #tpu.memory_space<hbm>>
      %dma_start3A_99 = tpu.memref_squeeze %dma_start3A_98 : memref<1x20480xf32, #tpu.memory_space<hbm>> -> memref<20480xf32, #tpu.memory_space<hbm>>
      %dma_start3A_100 = tpu.memref_slice %dma_start3A_99[%mul3A_84] : memref<20480xf32, #tpu.memory_space<hbm>> -> memref<640xf32, #tpu.memory_space<hbm>>
      %dma_start3A_101 = arith.constant 0 : i32
      %dma_start3A_102 = tpu.memref_slice %arg4[%run_scoped3A_85, %dma_start3A_101] : memref<8x20480xf32, #tpu.memory_space<hbm>> -> memref<1x20480xf32, #tpu.memory_space<hbm>>
      %dma_start3A_103 = tpu.memref_squeeze %dma_start3A_102 : memref<1x20480xf32, #tpu.memory_space<hbm>> -> memref<20480xf32, #tpu.memory_space<hbm>>
      %dma_start3A_104 = tpu.memref_slice %dma_start3A_103[%mul3A_84] : memref<20480xf32, #tpu.memory_space<hbm>> -> memref<640xf32, #tpu.memory_space<hbm>>
      %dma_start3A_105 = arith.constant 2560 : i32
      %dma_start3A_106 = tpu.memref_slice %arg11[%dma_start3A_105] : memref<5120xf32, #tpu.memory_space<vmem>> -> memref<640xf32, #tpu.memory_space<vmem>>
      tpu.enqueue_dma source(%dma_start3A_106 : memref<640xf32, #tpu.memory_space<vmem>>) target(%dma_start3A_104 : memref<640xf32, #tpu.memory_space<hbm>>) target_semaphore(%run_scoped3A_95 : memref<!tpu.dma_semaphore, #tpu.memory_space<semaphore_mem>>)
      %dma_wait3A = arith.constant 2560 : i32
      %dma_wait3A_107 = tpu.memref_slice %arg11[%dma_wait3A] : memref<5120xf32, #tpu.memory_space<vmem>> -> memref<640xf32, #tpu.memory_space<vmem>>
      %dma_wait3A_108 = arith.constant 0 : i32
      %dma_wait3A_109 = tpu.memref_slice %arg4[%run_scoped3A_85, %dma_wait3A_108] : memref<8x20480xf32, #tpu.memory_space<hbm>> -> memref<1x20480xf32, #tpu.memory_space<hbm>>
      %dma_wait3A_110 = tpu.memref_squeeze %dma_wait3A_109 : memref<1x20480xf32, #tpu.memory_space<hbm>> -> memref<20480xf32, #tpu.memory_space<hbm>>
      %dma_wait3A_111 = tpu.memref_slice %dma_wait3A_110[%mul3A_84] : memref<20480xf32, #tpu.memory_space<hbm>> -> memref<640xf32, #tpu.memory_space<hbm>>
      %dma_wait3A_112 = arith.constant 0 : i32
      %dma_wait3A_113 = tpu.memref_slice %arg4[%run_scoped3A_85, %dma_wait3A_112] : memref<8x20480xf32, #tpu.memory_space<hbm>> -> memref<1x20480xf32, #tpu.memory_space<hbm>>
      %dma_wait3A_114 = tpu.memref_squeeze %dma_wait3A_113 : memref<1x20480xf32, #tpu.memory_space<hbm>> -> memref<20480xf32, #tpu.memory_space<hbm>>
      %dma_wait3A_115 = tpu.memref_slice %dma_wait3A_114[%mul3A_84] : memref<20480xf32, #tpu.memory_space<hbm>> -> memref<640xf32, #tpu.memory_space<hbm>>
      %dma_wait3A_116 = arith.constant 2560 : i32
      %dma_wait3A_117 = tpu.memref_slice %arg11[%dma_wait3A_116] : memref<5120xf32, #tpu.memory_space<vmem>> -> memref<640xf32, #tpu.memory_space<vmem>>
      tpu.wait_dma2 semaphore(%run_scoped3A_95 : memref<!tpu.dma_semaphore, #tpu.memory_space<semaphore_mem>>) src(%dma_wait3A_117 : memref<640xf32, #tpu.memory_space<vmem>>) dst(%dma_wait3A_115 : memref<640xf32, #tpu.memory_space<hbm>>)
      tpu.yield
    }) : () -> ()
    %mul3A_86 = arith.constant 640 : i32
    %mul3A_87 = arith.muli %add3A, %mul3A_86 : i32
    %run_scoped3A_88 = arith.constant 5 : i32
    "tpu.region"() ({
      %run_scoped3A_95 = tpu.sem_alloc : memref<!tpu.dma_semaphore, #tpu.memory_space<semaphore_mem>>
      %dma_start3A = arith.constant 3200 : i32
      %dma_start3A_96 = tpu.memref_slice %arg11[%dma_start3A] : memref<5120xf32, #tpu.memory_space<vmem>> -> memref<640xf32, #tpu.memory_space<vmem>>
      %dma_start3A_97 = arith.constant 0 : i32
      %dma_start3A_98 = tpu.memref_slice %arg4[%run_scoped3A_88, %dma_start3A_97] : memref<8x20480xf32, #tpu.memory_space<hbm>> -> memref<1x20480xf32, #tpu.memory_space<hbm>>
      %dma_start3A_99 = tpu.memref_squeeze %dma_start3A_98 : memref<1x20480xf32, #tpu.memory_space<hbm>> -> memref<20480xf32, #tpu.memory_space<hbm>>
      %dma_start3A_100 = tpu.memref_slice %dma_start3A_99[%mul3A_87] : memref<20480xf32, #tpu.memory_space<hbm>> -> memref<640xf32, #tpu.memory_space<hbm>>
      %dma_start3A_101 = arith.constant 0 : i32
      %dma_start3A_102 = tpu.memref_slice %arg4[%run_scoped3A_88, %dma_start3A_101] : memref<8x20480xf32, #tpu.memory_space<hbm>> -> memref<1x20480xf32, #tpu.memory_space<hbm>>
      %dma_start3A_103 = tpu.memref_squeeze %dma_start3A_102 : memref<1x20480xf32, #tpu.memory_space<hbm>> -> memref<20480xf32, #tpu.memory_space<hbm>>
      %dma_start3A_104 = tpu.memref_slice %dma_start3A_103[%mul3A_87] : memref<20480xf32, #tpu.memory_space<hbm>> -> memref<640xf32, #tpu.memory_space<hbm>>
      %dma_start3A_105 = arith.constant 3200 : i32
      %dma_start3A_106 = tpu.memref_slice %arg11[%dma_start3A_105] : memref<5120xf32, #tpu.memory_space<vmem>> -> memref<640xf32, #tpu.memory_space<vmem>>
      tpu.enqueue_dma source(%dma_start3A_106 : memref<640xf32, #tpu.memory_space<vmem>>) target(%dma_start3A_104 : memref<640xf32, #tpu.memory_space<hbm>>) target_semaphore(%run_scoped3A_95 : memref<!tpu.dma_semaphore, #tpu.memory_space<semaphore_mem>>)
      %dma_wait3A = arith.constant 3200 : i32
      %dma_wait3A_107 = tpu.memref_slice %arg11[%dma_wait3A] : memref<5120xf32, #tpu.memory_space<vmem>> -> memref<640xf32, #tpu.memory_space<vmem>>
      %dma_wait3A_108 = arith.constant 0 : i32
      %dma_wait3A_109 = tpu.memref_slice %arg4[%run_scoped3A_88, %dma_wait3A_108] : memref<8x20480xf32, #tpu.memory_space<hbm>> -> memref<1x20480xf32, #tpu.memory_space<hbm>>
      %dma_wait3A_110 = tpu.memref_squeeze %dma_wait3A_109 : memref<1x20480xf32, #tpu.memory_space<hbm>> -> memref<20480xf32, #tpu.memory_space<hbm>>
      %dma_wait3A_111 = tpu.memref_slice %dma_wait3A_110[%mul3A_87] : memref<20480xf32, #tpu.memory_space<hbm>> -> memref<640xf32, #tpu.memory_space<hbm>>
      %dma_wait3A_112 = arith.constant 0 : i32
      %dma_wait3A_113 = tpu.memref_slice %arg4[%run_scoped3A_88, %dma_wait3A_112] : memref<8x20480xf32, #tpu.memory_space<hbm>> -> memref<1x20480xf32, #tpu.memory_space<hbm>>
      %dma_wait3A_114 = tpu.memref_squeeze %dma_wait3A_113 : memref<1x20480xf32, #tpu.memory_space<hbm>> -> memref<20480xf32, #tpu.memory_space<hbm>>
      %dma_wait3A_115 = tpu.memref_slice %dma_wait3A_114[%mul3A_87] : memref<20480xf32, #tpu.memory_space<hbm>> -> memref<640xf32, #tpu.memory_space<hbm>>
      %dma_wait3A_116 = arith.constant 3200 : i32
      %dma_wait3A_117 = tpu.memref_slice %arg11[%dma_wait3A_116] : memref<5120xf32, #tpu.memory_space<vmem>> -> memref<640xf32, #tpu.memory_space<vmem>>
      tpu.wait_dma2 semaphore(%run_scoped3A_95 : memref<!tpu.dma_semaphore, #tpu.memory_space<semaphore_mem>>) src(%dma_wait3A_117 : memref<640xf32, #tpu.memory_space<vmem>>) dst(%dma_wait3A_115 : memref<640xf32, #tpu.memory_space<hbm>>)
      tpu.yield
    }) : () -> ()
    %mul3A_89 = arith.constant 640 : i32
    %mul3A_90 = arith.muli %add3A, %mul3A_89 : i32
    %run_scoped3A_91 = arith.constant 6 : i32
    "tpu.region"() ({
      %run_scoped3A_95 = tpu.sem_alloc : memref<!tpu.dma_semaphore, #tpu.memory_space<semaphore_mem>>
      %dma_start3A = arith.constant 3840 : i32
      %dma_start3A_96 = tpu.memref_slice %arg11[%dma_start3A] : memref<5120xf32, #tpu.memory_space<vmem>> -> memref<640xf32, #tpu.memory_space<vmem>>
      %dma_start3A_97 = arith.constant 0 : i32
      %dma_start3A_98 = tpu.memref_slice %arg4[%run_scoped3A_91, %dma_start3A_97] : memref<8x20480xf32, #tpu.memory_space<hbm>> -> memref<1x20480xf32, #tpu.memory_space<hbm>>
      %dma_start3A_99 = tpu.memref_squeeze %dma_start3A_98 : memref<1x20480xf32, #tpu.memory_space<hbm>> -> memref<20480xf32, #tpu.memory_space<hbm>>
      %dma_start3A_100 = tpu.memref_slice %dma_start3A_99[%mul3A_90] : memref<20480xf32, #tpu.memory_space<hbm>> -> memref<640xf32, #tpu.memory_space<hbm>>
      %dma_start3A_101 = arith.constant 0 : i32
      %dma_start3A_102 = tpu.memref_slice %arg4[%run_scoped3A_91, %dma_start3A_101] : memref<8x20480xf32, #tpu.memory_space<hbm>> -> memref<1x20480xf32, #tpu.memory_space<hbm>>
      %dma_start3A_103 = tpu.memref_squeeze %dma_start3A_102 : memref<1x20480xf32, #tpu.memory_space<hbm>> -> memref<20480xf32, #tpu.memory_space<hbm>>
      %dma_start3A_104 = tpu.memref_slice %dma_start3A_103[%mul3A_90] : memref<20480xf32, #tpu.memory_space<hbm>> -> memref<640xf32, #tpu.memory_space<hbm>>
      %dma_start3A_105 = arith.constant 3840 : i32
      %dma_start3A_106 = tpu.memref_slice %arg11[%dma_start3A_105] : memref<5120xf32, #tpu.memory_space<vmem>> -> memref<640xf32, #tpu.memory_space<vmem>>
      tpu.enqueue_dma source(%dma_start3A_106 : memref<640xf32, #tpu.memory_space<vmem>>) target(%dma_start3A_104 : memref<640xf32, #tpu.memory_space<hbm>>) target_semaphore(%run_scoped3A_95 : memref<!tpu.dma_semaphore, #tpu.memory_space<semaphore_mem>>)
      %dma_wait3A = arith.constant 3840 : i32
      %dma_wait3A_107 = tpu.memref_slice %arg11[%dma_wait3A] : memref<5120xf32, #tpu.memory_space<vmem>> -> memref<640xf32, #tpu.memory_space<vmem>>
      %dma_wait3A_108 = arith.constant 0 : i32
      %dma_wait3A_109 = tpu.memref_slice %arg4[%run_scoped3A_91, %dma_wait3A_108] : memref<8x20480xf32, #tpu.memory_space<hbm>> -> memref<1x20480xf32, #tpu.memory_space<hbm>>
      %dma_wait3A_110 = tpu.memref_squeeze %dma_wait3A_109 : memref<1x20480xf32, #tpu.memory_space<hbm>> -> memref<20480xf32, #tpu.memory_space<hbm>>
      %dma_wait3A_111 = tpu.memref_slice %dma_wait3A_110[%mul3A_90] : memref<20480xf32, #tpu.memory_space<hbm>> -> memref<640xf32, #tpu.memory_space<hbm>>
      %dma_wait3A_112 = arith.constant 0 : i32
      %dma_wait3A_113 = tpu.memref_slice %arg4[%run_scoped3A_91, %dma_wait3A_112] : memref<8x20480xf32, #tpu.memory_space<hbm>> -> memref<1x20480xf32, #tpu.memory_space<hbm>>
      %dma_wait3A_114 = tpu.memref_squeeze %dma_wait3A_113 : memref<1x20480xf32, #tpu.memory_space<hbm>> -> memref<20480xf32, #tpu.memory_space<hbm>>
      %dma_wait3A_115 = tpu.memref_slice %dma_wait3A_114[%mul3A_90] : memref<20480xf32, #tpu.memory_space<hbm>> -> memref<640xf32, #tpu.memory_space<hbm>>
      %dma_wait3A_116 = arith.constant 3840 : i32
      %dma_wait3A_117 = tpu.memref_slice %arg11[%dma_wait3A_116] : memref<5120xf32, #tpu.memory_space<vmem>> -> memref<640xf32, #tpu.memory_space<vmem>>
      tpu.wait_dma2 semaphore(%run_scoped3A_95 : memref<!tpu.dma_semaphore, #tpu.memory_space<semaphore_mem>>) src(%dma_wait3A_117 : memref<640xf32, #tpu.memory_space<vmem>>) dst(%dma_wait3A_115 : memref<640xf32, #tpu.memory_space<hbm>>)
      tpu.yield
    }) : () -> ()
    %mul3A_92 = arith.constant 640 : i32
    %mul3A_93 = arith.muli %add3A, %mul3A_92 : i32
    %run_scoped3A_94 = arith.constant 7 : i32
    "tpu.region"() ({
      %run_scoped3A_95 = tpu.sem_alloc : memref<!tpu.dma_semaphore, #tpu.memory_space<semaphore_mem>>
      %dma_start3A = arith.constant 4480 : i32
      %dma_start3A_96 = tpu.memref_slice %arg11[%dma_start3A] : memref<5120xf32, #tpu.memory_space<vmem>> -> memref<640xf32, #tpu.memory_space<vmem>>
      %dma_start3A_97 = arith.constant 0 : i32
      %dma_start3A_98 = tpu.memref_slice %arg4[%run_scoped3A_94, %dma_start3A_97] : memref<8x20480xf32, #tpu.memory_space<hbm>> -> memref<1x20480xf32, #tpu.memory_space<hbm>>
      %dma_start3A_99 = tpu.memref_squeeze %dma_start3A_98 : memref<1x20480xf32, #tpu.memory_space<hbm>> -> memref<20480xf32, #tpu.memory_space<hbm>>
      %dma_start3A_100 = tpu.memref_slice %dma_start3A_99[%mul3A_93] : memref<20480xf32, #tpu.memory_space<hbm>> -> memref<640xf32, #tpu.memory_space<hbm>>
      %dma_start3A_101 = arith.constant 0 : i32
      %dma_start3A_102 = tpu.memref_slice %arg4[%run_scoped3A_94, %dma_start3A_101] : memref<8x20480xf32, #tpu.memory_space<hbm>> -> memref<1x20480xf32, #tpu.memory_space<hbm>>
      %dma_start3A_103 = tpu.memref_squeeze %dma_start3A_102 : memref<1x20480xf32, #tpu.memory_space<hbm>> -> memref<20480xf32, #tpu.memory_space<hbm>>
      %dma_start3A_104 = tpu.memref_slice %dma_start3A_103[%mul3A_93] : memref<20480xf32, #tpu.memory_space<hbm>> -> memref<640xf32, #tpu.memory_space<hbm>>
      %dma_start3A_105 = arith.constant 4480 : i32
      %dma_start3A_106 = tpu.memref_slice %arg11[%dma_start3A_105] : memref<5120xf32, #tpu.memory_space<vmem>> -> memref<640xf32, #tpu.memory_space<vmem>>
      tpu.enqueue_dma source(%dma_start3A_106 : memref<640xf32, #tpu.memory_space<vmem>>) target(%dma_start3A_104 : memref<640xf32, #tpu.memory_space<hbm>>) target_semaphore(%run_scoped3A_95 : memref<!tpu.dma_semaphore, #tpu.memory_space<semaphore_mem>>)
      %dma_wait3A = arith.constant 4480 : i32
      %dma_wait3A_107 = tpu.memref_slice %arg11[%dma_wait3A] : memref<5120xf32, #tpu.memory_space<vmem>> -> memref<640xf32, #tpu.memory_space<vmem>>
      %dma_wait3A_108 = arith.constant 0 : i32
      %dma_wait3A_109 = tpu.memref_slice %arg4[%run_scoped3A_94, %dma_wait3A_108] : memref<8x20480xf32, #tpu.memory_space<hbm>> -> memref<1x20480xf32, #tpu.memory_space<hbm>>
      %dma_wait3A_110 = tpu.memref_squeeze %dma_wait3A_109 : memref<1x20480xf32, #tpu.memory_space<hbm>> -> memref<20480xf32, #tpu.memory_space<hbm>>
      %dma_wait3A_111 = tpu.memref_slice %dma_wait3A_110[%mul3A_93] : memref<20480xf32, #tpu.memory_space<hbm>> -> memref<640xf32, #tpu.memory_space<hbm>>
      %dma_wait3A_112 = arith.constant 0 : i32
      %dma_wait3A_113 = tpu.memref_slice %arg4[%run_scoped3A_94, %dma_wait3A_112] : memref<8x20480xf32, #tpu.memory_space<hbm>> -> memref<1x20480xf32, #tpu.memory_space<hbm>>
      %dma_wait3A_114 = tpu.memref_squeeze %dma_wait3A_113 : memref<1x20480xf32, #tpu.memory_space<hbm>> -> memref<20480xf32, #tpu.memory_space<hbm>>
      %dma_wait3A_115 = tpu.memref_slice %dma_wait3A_114[%mul3A_93] : memref<20480xf32, #tpu.memory_space<hbm>> -> memref<640xf32, #tpu.memory_space<hbm>>
      %dma_wait3A_116 = arith.constant 4480 : i32
      %dma_wait3A_117 = tpu.memref_slice %arg11[%dma_wait3A_116] : memref<5120xf32, #tpu.memory_space<vmem>> -> memref<640xf32, #tpu.memory_space<vmem>>
      tpu.wait_dma2 semaphore(%run_scoped3A_95 : memref<!tpu.dma_semaphore, #tpu.memory_space<semaphore_mem>>) src(%dma_wait3A_117 : memref<640xf32, #tpu.memory_space<vmem>>) dst(%dma_wait3A_115 : memref<640xf32, #tpu.memory_space<hbm>>)
      tpu.yield
    }) : () -> ()
    "tpu.region"() ({
      %run_scoped3A_95 = tpu.sem_alloc : memref<!tpu.dma_semaphore, #tpu.memory_space<semaphore_mem>>
      %dma_start3A = arith.constant 0 : i32
      %dma_start3A_96 = tpu.memref_slice %arg10[%dma_start3A] : memref<10112xf32, #tpu.memory_space<vmem>> -> memref<10000xf32, #tpu.memory_space<vmem>>
      %dma_start3A_97 = arith.constant 0 : i32
      %dma_start3A_98 = tpu.memref_slice %arg5[%add3A, %dma_start3A_97] : memref<32x10000xf32, #tpu.memory_space<hbm>> -> memref<1x10000xf32, #tpu.memory_space<hbm>>
      %dma_start3A_99 = tpu.memref_squeeze %dma_start3A_98 : memref<1x10000xf32, #tpu.memory_space<hbm>> -> memref<10000xf32, #tpu.memory_space<hbm>>
      %dma_start3A_100 = arith.constant 0 : i32
      %dma_start3A_101 = tpu.memref_slice %arg5[%add3A, %dma_start3A_100] : memref<32x10000xf32, #tpu.memory_space<hbm>> -> memref<1x10000xf32, #tpu.memory_space<hbm>>
      %dma_start3A_102 = tpu.memref_squeeze %dma_start3A_101 : memref<1x10000xf32, #tpu.memory_space<hbm>> -> memref<10000xf32, #tpu.memory_space<hbm>>
      %dma_start3A_103 = arith.constant 0 : i32
      %dma_start3A_104 = tpu.memref_slice %arg10[%dma_start3A_103] : memref<10112xf32, #tpu.memory_space<vmem>> -> memref<10000xf32, #tpu.memory_space<vmem>>
      tpu.enqueue_dma source(%dma_start3A_104 : memref<10000xf32, #tpu.memory_space<vmem>>) target(%dma_start3A_102 : memref<10000xf32, #tpu.memory_space<hbm>>) target_semaphore(%run_scoped3A_95 : memref<!tpu.dma_semaphore, #tpu.memory_space<semaphore_mem>>)
      %dma_wait3A = arith.constant 0 : i32
      %dma_wait3A_105 = tpu.memref_slice %arg10[%dma_wait3A] : memref<10112xf32, #tpu.memory_space<vmem>> -> memref<10000xf32, #tpu.memory_space<vmem>>
      %dma_wait3A_106 = arith.constant 0 : i32
      %dma_wait3A_107 = tpu.memref_slice %arg5[%add3A, %dma_wait3A_106] : memref<32x10000xf32, #tpu.memory_space<hbm>> -> memref<1x10000xf32, #tpu.memory_space<hbm>>
      %dma_wait3A_108 = tpu.memref_squeeze %dma_wait3A_107 : memref<1x10000xf32, #tpu.memory_space<hbm>> -> memref<10000xf32, #tpu.memory_space<hbm>>
      %dma_wait3A_109 = arith.constant 0 : i32
      %dma_wait3A_110 = tpu.memref_slice %arg5[%add3A, %dma_wait3A_109] : memref<32x10000xf32, #tpu.memory_space<hbm>> -> memref<1x10000xf32, #tpu.memory_space<hbm>>
      %dma_wait3A_111 = tpu.memref_squeeze %dma_wait3A_110 : memref<1x10000xf32, #tpu.memory_space<hbm>> -> memref<10000xf32, #tpu.memory_space<hbm>>
      %dma_wait3A_112 = arith.constant 0 : i32
      %dma_wait3A_113 = tpu.memref_slice %arg10[%dma_wait3A_112] : memref<10112xf32, #tpu.memory_space<vmem>> -> memref<10000xf32, #tpu.memory_space<vmem>>
      tpu.wait_dma2 semaphore(%run_scoped3A_95 : memref<!tpu.dma_semaphore, #tpu.memory_space<semaphore_mem>>) src(%dma_wait3A_113 : memref<10000xf32, #tpu.memory_space<vmem>>) dst(%dma_wait3A_111 : memref<10000xf32, #tpu.memory_space<hbm>>)
      tpu.yield
    }) : () -> ()
    "tpu.region"() ({
      %run_scoped3A_95 = tpu.sem_alloc : memref<!tpu.dma_semaphore, #tpu.memory_space<semaphore_mem>>
      %dma_start3A = tpu.memref_slice %arg6[%mul3A_2] : memref<163840xi32, #tpu.memory_space<hbm>> -> memref<5120xi32, #tpu.memory_space<hbm>>
      %dma_start3A_96 = tpu.memref_slice %arg6[%mul3A_2] : memref<163840xi32, #tpu.memory_space<hbm>> -> memref<5120xi32, #tpu.memory_space<hbm>>
      tpu.enqueue_dma source(%arg7 : memref<5120xi32, #tpu.memory_space<vmem>>) target(%dma_start3A_96 : memref<5120xi32, #tpu.memory_space<hbm>>) target_semaphore(%run_scoped3A_95 : memref<!tpu.dma_semaphore, #tpu.memory_space<semaphore_mem>>)
      %dma_wait3A = tpu.memref_slice %arg6[%mul3A_2] : memref<163840xi32, #tpu.memory_space<hbm>> -> memref<5120xi32, #tpu.memory_space<hbm>>
      %dma_wait3A_97 = tpu.memref_slice %arg6[%mul3A_2] : memref<163840xi32, #tpu.memory_space<hbm>> -> memref<5120xi32, #tpu.memory_space<hbm>>
      tpu.wait_dma2 semaphore(%run_scoped3A_95 : memref<!tpu.dma_semaphore, #tpu.memory_space<semaphore_mem>>) src(%arg7 : memref<5120xi32, #tpu.memory_space<vmem>>) dst(%dma_wait3A_97 : memref<5120xi32, #tpu.memory_space<hbm>>)
      tpu.yield
    }) : () -> ()
    return
  }
}

#map = affine_map<(d0, d1) -> (0, 0)>
#map1 = affine_map<(d0, d1) -> (0, 0, 0)>
module attributes {stable_mosaic.version = 14 : i64} {
  func.func @k(%arg0: i32, %arg1: i32, %arg2: memref<163840x16xf32, #tpu.memory_space<hbm>>, %arg3: memref<32x40x128xi32, #tpu.memory_space<hbm>>, %arg4: memref<10112x16xf32, #tpu.memory_space<hbm>>, %arg5: memref<2x10112x16xf32, #tpu.memory_space<hbm>>, %arg6: memref<5120x16xf32, #tpu.memory_space<vmem>>, %arg7: memref<40x128xi32, #tpu.memory_space<vmem>>, %arg8: memref<10112x16xf32, #tpu.memory_space<vmem_shared>>, %arg9: memref<!tpu.dma_semaphore, #tpu.memory_space<semaphore_mem>>) attributes {dimension_semantics = [#tpu.dimension_semantics<core_parallel>, #tpu.dimension_semantics<subcore_parallel>], iteration_bounds = array<i64: 2, 16>, scalar_prefetch = 0 : i64, scratch_operands = 4 : i64, tpu.core_type = #tpu.core_type<sc_vector_subcore>, window_params = [{transform_indices = #map}, {transform_indices = #map1}, {transform_indices = #map}, {transform_indices = #map1}]} {
    %mul3A = arith.constant 2 : i32
    %mul3A_0 = arith.muli %arg1, %mul3A : i32
    %add3A = arith.addi %mul3A_0, %arg0 : i32
    %mul3A_1 = arith.constant 632 : i32
    %mul3A_2 = arith.muli %arg1, %mul3A_1 : i32
    %mul3A_3 = arith.constant 632 : i32
    %mul3A_4 = arith.muli %arg1, %mul3A_3 : i32
    "tpu.region"() ({
      %run_scoped3A = tpu.sem_alloc : memref<!tpu.dma_semaphore, #tpu.memory_space<semaphore_mem>>
      %dma_start3A = arith.constant 0 : i32
      %dma_start3A_23 = tpu.memref_slice %arg8[%mul3A_4, %dma_start3A] : memref<10112x16xf32, #tpu.memory_space<vmem_shared>> -> memref<632x16xf32, #tpu.memory_space<vmem_shared>>
      %dma_start3A_24 = arith.constant 0 : i32
      %dma_start3A_25 = tpu.memref_slice %arg4[%mul3A_2, %dma_start3A_24] : memref<10112x16xf32, #tpu.memory_space<hbm>> -> memref<632x16xf32, #tpu.memory_space<hbm>>
      tpu.enqueue_dma source(%dma_start3A_25 : memref<632x16xf32, #tpu.memory_space<hbm>>) target(%dma_start3A_23 : memref<632x16xf32, #tpu.memory_space<vmem_shared>>) target_semaphore(%run_scoped3A : memref<!tpu.dma_semaphore, #tpu.memory_space<semaphore_mem>>)
      %dma_wait3A = arith.constant 0 : i32
      %dma_wait3A_26 = tpu.memref_slice %arg8[%mul3A_4, %dma_wait3A] : memref<10112x16xf32, #tpu.memory_space<vmem_shared>> -> memref<632x16xf32, #tpu.memory_space<vmem_shared>>
      %dma_wait3A_27 = arith.constant 0 : i32
      %dma_wait3A_28 = tpu.memref_slice %arg4[%mul3A_2, %dma_wait3A_27] : memref<10112x16xf32, #tpu.memory_space<hbm>> -> memref<632x16xf32, #tpu.memory_space<hbm>>
      tpu.wait_dma2 semaphore(%run_scoped3A : memref<!tpu.dma_semaphore, #tpu.memory_space<semaphore_mem>>) src(%dma_wait3A_28 : memref<632x16xf32, #tpu.memory_space<hbm>>) dst(%dma_wait3A_26 : memref<632x16xf32, #tpu.memory_space<vmem_shared>>)
      tpu.yield
    }) : () -> ()
    %mul3A_5 = arith.constant 5120 : i32
    %mul3A_6 = arith.muli %add3A, %mul3A_5 : i32
    "tpu.region"() ({
      %run_scoped3A = tpu.sem_alloc : memref<!tpu.dma_semaphore, #tpu.memory_space<semaphore_mem>>
      %dma_start3A = arith.constant 0 : i32
      %dma_start3A_23 = tpu.memref_slice %arg2[%mul3A_6, %dma_start3A] : memref<163840x16xf32, #tpu.memory_space<hbm>> -> memref<5120x16xf32, #tpu.memory_space<hbm>>
      %dma_start3A_24 = arith.constant 0 : i32
      %dma_start3A_25 = tpu.memref_slice %arg2[%mul3A_6, %dma_start3A_24] : memref<163840x16xf32, #tpu.memory_space<hbm>> -> memref<5120x16xf32, #tpu.memory_space<hbm>>
      tpu.enqueue_dma source(%dma_start3A_25 : memref<5120x16xf32, #tpu.memory_space<hbm>>) target(%arg6 : memref<5120x16xf32, #tpu.memory_space<vmem>>) target_semaphore(%run_scoped3A : memref<!tpu.dma_semaphore, #tpu.memory_space<semaphore_mem>>)
      %dma_wait3A = arith.constant 0 : i32
      %dma_wait3A_26 = tpu.memref_slice %arg2[%mul3A_6, %dma_wait3A] : memref<163840x16xf32, #tpu.memory_space<hbm>> -> memref<5120x16xf32, #tpu.memory_space<hbm>>
      %dma_wait3A_27 = arith.constant 0 : i32
      %dma_wait3A_28 = tpu.memref_slice %arg2[%mul3A_6, %dma_wait3A_27] : memref<163840x16xf32, #tpu.memory_space<hbm>> -> memref<5120x16xf32, #tpu.memory_space<hbm>>
      tpu.wait_dma2 semaphore(%run_scoped3A : memref<!tpu.dma_semaphore, #tpu.memory_space<semaphore_mem>>) src(%dma_wait3A_28 : memref<5120x16xf32, #tpu.memory_space<hbm>>) dst(%arg6 : memref<5120x16xf32, #tpu.memory_space<vmem>>)
      tpu.yield
    }) : () -> ()
    "tpu.region"() ({
      %run_scoped3A = tpu.sem_alloc : memref<!tpu.dma_semaphore, #tpu.memory_space<semaphore_mem>>
      %dma_start3A = arith.constant 0 : i32
      %dma_start3A_23 = arith.constant 0 : i32
      %dma_start3A_24 = tpu.memref_slice %arg3[%add3A, %dma_start3A, %dma_start3A_23] : memref<32x40x128xi32, #tpu.memory_space<hbm>> -> memref<1x40x128xi32, #tpu.memory_space<hbm>>
      %dma_start3A_25 = tpu.memref_squeeze %dma_start3A_24 : memref<1x40x128xi32, #tpu.memory_space<hbm>> -> memref<40x128xi32, #tpu.memory_space<hbm>>
      %dma_start3A_26 = arith.constant 0 : i32
      %dma_start3A_27 = arith.constant 0 : i32
      %dma_start3A_28 = tpu.memref_slice %arg3[%add3A, %dma_start3A_26, %dma_start3A_27] : memref<32x40x128xi32, #tpu.memory_space<hbm>> -> memref<1x40x128xi32, #tpu.memory_space<hbm>>
      %dma_start3A_29 = tpu.memref_squeeze %dma_start3A_28 : memref<1x40x128xi32, #tpu.memory_space<hbm>> -> memref<40x128xi32, #tpu.memory_space<hbm>>
      tpu.enqueue_dma source(%dma_start3A_29 : memref<40x128xi32, #tpu.memory_space<hbm>>) target(%arg7 : memref<40x128xi32, #tpu.memory_space<vmem>>) target_semaphore(%run_scoped3A : memref<!tpu.dma_semaphore, #tpu.memory_space<semaphore_mem>>)
      %dma_wait3A = arith.constant 0 : i32
      %dma_wait3A_30 = arith.constant 0 : i32
      %dma_wait3A_31 = tpu.memref_slice %arg3[%add3A, %dma_wait3A, %dma_wait3A_30] : memref<32x40x128xi32, #tpu.memory_space<hbm>> -> memref<1x40x128xi32, #tpu.memory_space<hbm>>
      %dma_wait3A_32 = tpu.memref_squeeze %dma_wait3A_31 : memref<1x40x128xi32, #tpu.memory_space<hbm>> -> memref<40x128xi32, #tpu.memory_space<hbm>>
      %dma_wait3A_33 = arith.constant 0 : i32
      %dma_wait3A_34 = arith.constant 0 : i32
      %dma_wait3A_35 = tpu.memref_slice %arg3[%add3A, %dma_wait3A_33, %dma_wait3A_34] : memref<32x40x128xi32, #tpu.memory_space<hbm>> -> memref<1x40x128xi32, #tpu.memory_space<hbm>>
      %dma_wait3A_36 = tpu.memref_squeeze %dma_wait3A_35 : memref<1x40x128xi32, #tpu.memory_space<hbm>> -> memref<40x128xi32, #tpu.memory_space<hbm>>
      tpu.wait_dma2 semaphore(%run_scoped3A : memref<!tpu.dma_semaphore, #tpu.memory_space<semaphore_mem>>) src(%dma_wait3A_36 : memref<40x128xi32, #tpu.memory_space<hbm>>) dst(%arg7 : memref<40x128xi32, #tpu.memory_space<vmem>>)
      tpu.yield
    }) : () -> ()
    %barrier3A = arith.constant 0 : index
    tpu.barrier barrier_id(%barrier3A)
    %scan3A = arith.constant 0 : i32
    %scan3A_7 = arith.constant 0 : i32
    %scan3A_8 = arith.constant 40 : i32
    %scan3A_9 = arith.addi %scan3A_7, %scan3A_8 : i32
    %scan3A_10 = arith.constant 1 : i32
    scf.for %scan3A_23 = %scan3A_7 to %scan3A_9 step %scan3A_10  : i32 {
      %mul3A_24 = arith.constant 128 : i32
      %mul3A_25 = arith.muli %scan3A_23, %mul3A_24 : i32
      %dma_start3A = arith.constant 0 : i32
      %dma_start3A_26 = tpu.memref_slice %arg6[%mul3A_25, %dma_start3A] : memref<5120x16xf32, #tpu.memory_space<vmem>> -> memref<128x16xf32, #tpu.memory_space<vmem>>
      %dma_start3A_27 = arith.constant 0 : i32
      %dma_start3A_28 = tpu.memref_slice %arg7[%scan3A_23, %dma_start3A_27] : memref<40x128xi32, #tpu.memory_space<vmem>> -> memref<1x128xi32, #tpu.memory_space<vmem>>
      %dma_start3A_29 = tpu.memref_squeeze %dma_start3A_28 : memref<1x128xi32, #tpu.memory_space<vmem>> -> memref<128xi32, #tpu.memory_space<vmem>>
      %dma_start3A_30 = arith.constant 0 : i32
      %dma_start3A_31 = arith.constant 0 : i32
      %dma_start3A_32 = tpu.memref_slice %arg8[%dma_start3A_30, %dma_start3A_31] : memref<10112x16xf32, #tpu.memory_space<vmem_shared>> -> memref<10112x16xf32, #tpu.memory_space<vmem_shared>>
      tpu.enqueue_indirect_dma source(%dma_start3A_26 : memref<128x16xf32, #tpu.memory_space<vmem>>) target(%dma_start3A_32 : memref<10112x16xf32, #tpu.memory_space<vmem_shared>>) offsets(%dma_start3A_29 : memref<128xi32, #tpu.memory_space<vmem>>) semaphore(%arg9 : memref<!tpu.dma_semaphore, #tpu.memory_space<semaphore_mem>>) {add = true}
    }
    %scan3A_11 = arith.constant 40 : i32
    %scan3A_12 = arith.constant 0 : i32
    %scan3A_13 = arith.constant 0 : i32
    %scan3A_14 = arith.constant 40 : i32
    %scan3A_15 = arith.addi %scan3A_13, %scan3A_14 : i32
    %scan3A_16 = arith.constant 1 : i32
    scf.for %scan3A_23 = %scan3A_13 to %scan3A_15 step %scan3A_16  : i32 {
      %dma_wait3A = arith.constant 0 : i32
      %dma_wait3A_24 = arith.constant 0 : i32
      %dma_wait3A_25 = arith.constant 0 : i32
      %dma_wait3A_26 = tpu.memref_slice %arg6[%dma_wait3A_24, %dma_wait3A_25] : memref<5120x16xf32, #tpu.memory_space<vmem>> -> memref<128x16xf32, #tpu.memory_space<vmem>>
      %dma_wait3A_27 = arith.constant 0 : i32
      %dma_wait3A_28 = tpu.memref_slice %arg7[%dma_wait3A, %dma_wait3A_27] : memref<40x128xi32, #tpu.memory_space<vmem>> -> memref<1x128xi32, #tpu.memory_space<vmem>>
      %dma_wait3A_29 = tpu.memref_squeeze %dma_wait3A_28 : memref<1x128xi32, #tpu.memory_space<vmem>> -> memref<128xi32, #tpu.memory_space<vmem>>
      %dma_wait3A_30 = arith.constant 0 : i32
      %dma_wait3A_31 = arith.constant 0 : i32
      %dma_wait3A_32 = tpu.memref_slice %arg8[%dma_wait3A_30, %dma_wait3A_31] : memref<10112x16xf32, #tpu.memory_space<vmem_shared>> -> memref<10112x16xf32, #tpu.memory_space<vmem_shared>>
      tpu.wait_indirect_dma semaphore(%arg9 : memref<!tpu.dma_semaphore, #tpu.memory_space<semaphore_mem>>) src(%dma_wait3A_26 : memref<128x16xf32, #tpu.memory_space<vmem>>) dst(%dma_wait3A_32 : memref<10112x16xf32, #tpu.memory_space<vmem_shared>>)
    }
    %scan3A_17 = arith.constant 40 : i32
    %barrier3A_18 = arith.constant 0 : index
    tpu.barrier barrier_id(%barrier3A_18)
    %mul3A_19 = arith.constant 632 : i32
    %mul3A_20 = arith.muli %arg1, %mul3A_19 : i32
    %mul3A_21 = arith.constant 632 : i32
    %mul3A_22 = arith.muli %arg1, %mul3A_21 : i32
    "tpu.region"() ({
      %run_scoped3A = tpu.sem_alloc : memref<!tpu.dma_semaphore, #tpu.memory_space<semaphore_mem>>
      %dma_start3A = arith.constant 0 : i32
      %dma_start3A_23 = arith.constant 0 : i32
      %dma_start3A_24 = tpu.memref_slice %arg5[%arg0, %dma_start3A, %dma_start3A_23] : memref<2x10112x16xf32, #tpu.memory_space<hbm>> -> memref<1x10112x16xf32, #tpu.memory_space<hbm>>
      %dma_start3A_25 = tpu.memref_squeeze %dma_start3A_24 : memref<1x10112x16xf32, #tpu.memory_space<hbm>> -> memref<10112x16xf32, #tpu.memory_space<hbm>>
      %dma_start3A_26 = arith.constant 0 : i32
      %dma_start3A_27 = tpu.memref_slice %dma_start3A_25[%mul3A_22, %dma_start3A_26] : memref<10112x16xf32, #tpu.memory_space<hbm>> -> memref<632x16xf32, #tpu.memory_space<hbm>>
      %dma_start3A_28 = arith.constant 0 : i32
      %dma_start3A_29 = tpu.memref_slice %arg8[%mul3A_20, %dma_start3A_28] : memref<10112x16xf32, #tpu.memory_space<vmem_shared>> -> memref<632x16xf32, #tpu.memory_space<vmem_shared>>
      tpu.enqueue_dma source(%dma_start3A_29 : memref<632x16xf32, #tpu.memory_space<vmem_shared>>) target(%dma_start3A_27 : memref<632x16xf32, #tpu.memory_space<hbm>>) target_semaphore(%run_scoped3A : memref<!tpu.dma_semaphore, #tpu.memory_space<semaphore_mem>>)
      %dma_wait3A = arith.constant 0 : i32
      %dma_wait3A_30 = arith.constant 0 : i32
      %dma_wait3A_31 = tpu.memref_slice %arg5[%arg0, %dma_wait3A, %dma_wait3A_30] : memref<2x10112x16xf32, #tpu.memory_space<hbm>> -> memref<1x10112x16xf32, #tpu.memory_space<hbm>>
      %dma_wait3A_32 = tpu.memref_squeeze %dma_wait3A_31 : memref<1x10112x16xf32, #tpu.memory_space<hbm>> -> memref<10112x16xf32, #tpu.memory_space<hbm>>
      %dma_wait3A_33 = arith.constant 0 : i32
      %dma_wait3A_34 = tpu.memref_slice %dma_wait3A_32[%mul3A_22, %dma_wait3A_33] : memref<10112x16xf32, #tpu.memory_space<hbm>> -> memref<632x16xf32, #tpu.memory_space<hbm>>
      %dma_wait3A_35 = arith.constant 0 : i32
      %dma_wait3A_36 = tpu.memref_slice %arg8[%mul3A_20, %dma_wait3A_35] : memref<10112x16xf32, #tpu.memory_space<vmem_shared>> -> memref<632x16xf32, #tpu.memory_space<vmem_shared>>
      tpu.wait_dma2 semaphore(%run_scoped3A : memref<!tpu.dma_semaphore, #tpu.memory_space<semaphore_mem>>) src(%dma_wait3A_36 : memref<632x16xf32, #tpu.memory_space<vmem_shared>>) dst(%dma_wait3A_34 : memref<632x16xf32, #tpu.memory_space<hbm>>)
      tpu.yield
    }) : () -> ()
    return
  }
}

module attributes {stable_mosaic.version = 14 : i64} {
  func.func @body(%arg0: i32, %arg1: memref<8x4096xf32, #tpu.memory_space<vmem>>, %arg2: memref<32x10000xf32, #tpu.memory_space<vmem>>, %arg3: memref<10000x16xf32, #tpu.memory_space<vmem>>, %arg4: memref<16x256xf32, #tpu.memory_space<vmem>>, %arg5: memref<16x256xf32, #tpu.memory_space<vmem>>, %arg6: memref<128x16xf32, #tpu.memory_space<vmem>>, %arg7: memref<32x256xf32, #tpu.memory_space<vmem>>, %arg8: memref<128x256xf32, #tpu.memory_space<vmem>>, %arg9: memref<16x128xf32, #tpu.memory_space<vmem>>, %arg10: memref<32x1xf32, #tpu.memory_space<vmem>>, %arg11: memref<32x1xf32, #tpu.memory_space<vmem>>, %arg12: memref<32x32xf32, #tpu.memory_space<vmem>>, %arg13: memref<32x1xf32, #tpu.memory_space<vmem>>, %arg14: memref<256x32xf32, #tpu.memory_space<vmem>>, %arg15: memref<16x16xf32, #tpu.memory_space<vmem>>, %arg16: memref<4096x128xf32, #tpu.memory_space<vmem>>, %arg17: memref<128x256xf32, #tpu.memory_space<vmem>>, %arg18: memref<1x128xf32, #tpu.memory_space<vmem>>) attributes {dimension_semantics = [#tpu.dimension_semantics<arbitrary>], iteration_bounds = array<i64: 5>, scalar_prefetch = 0 : i64, scratch_operands = 2 : i64, tpu.core_type = #tpu.core_type<tc>, window_params = [{transform_indices = @transform_0, window_bounds = array<i64: 8, 4096>}, {pipeline_mode = #tpu.pipeline_mode<synchronous>, transform_indices = @transform_1, window_bounds = array<i64: 32, 10000>}, {pipeline_mode = #tpu.pipeline_mode<synchronous>, transform_indices = @transform_2, window_bounds = array<i64: 10000, 16>}, {pipeline_mode = #tpu.pipeline_mode<synchronous>, transform_indices = @transform_3, window_bounds = array<i64: 16, 256>}, {pipeline_mode = #tpu.pipeline_mode<synchronous>, transform_indices = @transform_4, window_bounds = array<i64: 16, 256>}, {pipeline_mode = #tpu.pipeline_mode<synchronous>, transform_indices = @transform_5, window_bounds = array<i64: 128, 16>}, {pipeline_mode = #tpu.pipeline_mode<synchronous>, transform_indices = @transform_6, window_bounds = array<i64: 32, 256>}, {pipeline_mode = #tpu.pipeline_mode<synchronous>, transform_indices = @transform_7, window_bounds = array<i64: 128, 256>}, {pipeline_mode = #tpu.pipeline_mode<synchronous>, transform_indices = @transform_8, window_bounds = array<i64: 16, 128>}, {pipeline_mode = #tpu.pipeline_mode<synchronous>, transform_indices = @transform_9, window_bounds = array<i64: 32, 1>}, {pipeline_mode = #tpu.pipeline_mode<synchronous>, transform_indices = @transform_10, window_bounds = array<i64: 32, 1>}, {pipeline_mode = #tpu.pipeline_mode<synchronous>, transform_indices = @transform_11, window_bounds = array<i64: 32, 32>}, {pipeline_mode = #tpu.pipeline_mode<synchronous>, transform_indices = @transform_12, window_bounds = array<i64: 32, 1>}, {pipeline_mode = #tpu.pipeline_mode<synchronous>, transform_indices = @transform_13, window_bounds = array<i64: 256, 32>}, {pipeline_mode = #tpu.pipeline_mode<synchronous>, transform_indices = @transform_14, window_bounds = array<i64: 16, 16>}, {transform_indices = @transform_15, window_bounds = array<i64: 4096, 128>}]} {
    %eq3A = arith.constant 0 : i32
    %eq3A_0 = arith.cmpi eq, %arg0, %eq3A : i32
    %convert_element_type3A = arith.extui %eq3A_0 : i1 to i32
    %cond3A = arith.constant 0 : i32
    %cond3A_1 = arith.cmpi ne, %convert_element_type3A, %cond3A : i32
    scf.if %cond3A_1 {
      %get3A_361 = arith.constant 0 : index
      %get3A_362 = arith.constant 0 : index
      %get3A_363 = vector.load %arg2[%get3A_361, %get3A_362] : memref<32x10000xf32, #tpu.memory_space<vmem>>, vector<32x10000xf32>
      %reduce_sum3A = arith.constant dense<0.000000e+00> : vector<10000xf32>
      %reduce_sum3A_364 = vector.multi_reduction <add>, %get3A_363, %reduce_sum3A [0] : vector<32x10000xf32> to vector<10000xf32>
      %broadcast_in_dim3A = vector.shape_cast %reduce_sum3A_364 : vector<10000xf32> to vector<1x10000xf32>
      %get3A_365 = arith.constant 0 : index
      %get3A_366 = arith.constant 0 : index
      %get3A_367 = vector.load %arg3[%get3A_365, %get3A_366] : memref<10000x16xf32, #tpu.memory_space<vmem>>, vector<10000x16xf32>
      %dot_general3A_368 = arith.constant dense<0.000000e+00> : vector<1x16xf32>
      %dot_general3A_369 = tpu.matmul %broadcast_in_dim3A, %get3A_367, %dot_general3A_368 {dimension_numbers = #tpu.dot_dimension_numbers<[1], [0], [0], [1], [0, 0, 1, 1], [], []>, transpose_lhs_hint = false} : vector<1x10000xf32>, vector<10000x16xf32>, vector<1x16xf32> -> vector<1x16xf32>
      %get3A_370 = arith.constant 0 : index
      %get3A_371 = arith.constant 0 : index
      %get3A_372 = vector.load %arg4[%get3A_370, %get3A_371] : memref<16x256xf32, #tpu.memory_space<vmem>>, vector<16x256xf32>
      %dot_general3A_373 = arith.constant dense<0.000000e+00> : vector<1x256xf32>
      %dot_general3A_374 = tpu.matmul %dot_general3A_369, %get3A_372, %dot_general3A_373 {dimension_numbers = #tpu.dot_dimension_numbers<[1], [0], [0], [1], [0, 0, 1, 1], [], []>, transpose_lhs_hint = false} : vector<1x16xf32>, vector<16x256xf32>, vector<1x256xf32> -> vector<1x256xf32>
      %get3A_375 = arith.constant 0 : index
      %get3A_376 = arith.constant 0 : index
      %get3A_377 = vector.load %arg5[%get3A_375, %get3A_376] : memref<16x256xf32, #tpu.memory_space<vmem>>, vector<16x256xf32>
      %mul3A_378 = vector.broadcast %dot_general3A_374 : vector<1x256xf32> to vector<16x256xf32>
      %mul3A_379 = arith.mulf %get3A_377, %mul3A_378 : vector<16x256xf32>
      %get3A_380 = arith.constant 0 : index
      %get3A_381 = arith.constant 0 : index
      %get3A_382 = vector.load %arg14[%get3A_380, %get3A_381] : memref<256x32xf32, #tpu.memory_space<vmem>>, vector<256x32xf32>
      %dot_general3A_383 = arith.constant dense<0.000000e+00> : vector<16x32xf32>
      %dot_general3A_384 = tpu.matmul %mul3A_379, %get3A_382, %dot_general3A_383 {dimension_numbers = #tpu.dot_dimension_numbers<[1], [0], [0], [1], [0, 0, 1, 1], [], []>, transpose_lhs_hint = false} : vector<16x256xf32>, vector<256x32xf32>, vector<16x32xf32> -> vector<16x32xf32>
      %get3A_385 = arith.constant 0 : index
      %get3A_386 = arith.constant 0 : index
      %get3A_387 = vector.load %arg8[%get3A_385, %get3A_386] : memref<128x256xf32, #tpu.memory_space<vmem>>, vector<128x256xf32>
      %get3A_388 = arith.constant 0 : index
      %get3A_389 = arith.constant 0 : index
      %get3A_390 = vector.load %arg6[%get3A_388, %get3A_389] : memref<128x16xf32, #tpu.memory_space<vmem>>, vector<128x16xf32>
      %dot_general3A_391 = arith.constant dense<0.000000e+00> : vector<128x32xf32>
      %dot_general3A_392 = tpu.matmul %get3A_390, %dot_general3A_384, %dot_general3A_391 {dimension_numbers = #tpu.dot_dimension_numbers<[1], [0], [0], [1], [0, 0, 1, 1], [], []>, transpose_lhs_hint = false} : vector<128x16xf32>, vector<16x32xf32>, vector<128x32xf32> -> vector<128x32xf32>
      %get3A_393 = arith.constant 0 : index
      %get3A_394 = arith.constant 0 : index
      %get3A_395 = vector.load %arg7[%get3A_393, %get3A_394] : memref<32x256xf32, #tpu.memory_space<vmem>>, vector<32x256xf32>
      %dot_general3A_396 = arith.constant dense<0.000000e+00> : vector<128x256xf32>
      %dot_general3A_397 = tpu.matmul %dot_general3A_392, %get3A_395, %dot_general3A_396 {dimension_numbers = #tpu.dot_dimension_numbers<[1], [0], [0], [1], [0, 0, 1, 1], [], []>, transpose_lhs_hint = false} : vector<128x32xf32>, vector<32x256xf32>, vector<128x256xf32> -> vector<128x256xf32>
      %mul3A_398 = arith.mulf %get3A_387, %dot_general3A_397 : vector<128x256xf32>
      %swap3A_399 = arith.constant 0 : index
      %swap3A_400 = arith.constant 0 : index
      %swap3A_401 = vector.load %arg17[%swap3A_399, %swap3A_400] : memref<128x256xf32, #tpu.memory_space<vmem>>, vector<128x256xf32>
      tpu.vector_store %arg17[%swap3A_399, %swap3A_400], %mul3A_398 {strides = array<i32>} : memref<128x256xf32, #tpu.memory_space<vmem>>, vector<128x256xf32>,
      %get3A_402 = arith.constant 0 : index
      %get3A_403 = arith.constant 0 : index
      %get3A_404 = vector.load %arg15[%get3A_402, %get3A_403] : memref<16x16xf32, #tpu.memory_space<vmem>>, vector<16x16xf32>
      %dot_general3A_405 = arith.constant dense<0.000000e+00> : vector<1x16xf32>
      %dot_general3A_406 = tpu.matmul %dot_general3A_369, %get3A_404, %dot_general3A_405 {dimension_numbers = #tpu.dot_dimension_numbers<[1], [0], [0], [1], [0, 0, 1, 1], [], []>, transpose_lhs_hint = false} : vector<1x16xf32>, vector<16x16xf32>, vector<1x16xf32> -> vector<1x16xf32>
      %get3A_407 = arith.constant 0 : index
      %get3A_408 = arith.constant 0 : index
      %get3A_409 = vector.load %arg9[%get3A_407, %get3A_408] : memref<16x128xf32, #tpu.memory_space<vmem>>, vector<16x128xf32>
      %dot_general3A_410 = arith.constant dense<0.000000e+00> : vector<1x128xf32>
      %dot_general3A_411 = tpu.matmul %dot_general3A_406, %get3A_409, %dot_general3A_410 {dimension_numbers = #tpu.dot_dimension_numbers<[1], [0], [0], [1], [0, 0, 1, 1], [], []>, transpose_lhs_hint = false} : vector<1x16xf32>, vector<16x128xf32>, vector<1x128xf32> -> vector<1x128xf32>
      %swap3A_412 = arith.constant 0 : index
      %swap3A_413 = arith.constant 0 : index
      %swap3A_414 = vector.load %arg18[%swap3A_412, %swap3A_413] : memref<1x128xf32, #tpu.memory_space<vmem>>, vector<1x128xf32>
      tpu.vector_store %arg18[%swap3A_412, %swap3A_413], %dot_general3A_411 {strides = array<i32>} : memref<1x128xf32, #tpu.memory_space<vmem>>, vector<1x128xf32>,
    } else {
    }
    %get3A = arith.constant 0 : index
    %get3A_2 = arith.constant 0 : index
    %get3A_3 = vector.load %arg1[%get3A, %get3A_2] : memref<8x4096xf32, #tpu.memory_space<vmem>>, vector<8x4096xf32>
    %sqrt3A = math.sqrt %get3A_3 : vector<8x4096xf32>
    %get3A_4 = arith.constant 0 : index
    %get3A_5 = arith.constant 0 : index
    %get3A_6 = vector.load %arg10[%get3A_4, %get3A_5] : memref<32x1xf32, #tpu.memory_space<vmem>>, vector<32x1xf32>
    %slice3A = vector.extract_strided_slice %sqrt3A {offsets = [0, 0], sizes = [1, 4096], strides = [1, 1]} : vector<8x4096xf32> to vector<1x4096xf32>
    %mul3A = vector.broadcast %get3A_6 : vector<32x1xf32> to vector<32x4096xf32>
    %mul3A_7 = vector.broadcast %slice3A : vector<1x4096xf32> to vector<32x4096xf32>
    %mul3A_8 = arith.mulf %mul3A, %mul3A_7 : vector<32x4096xf32>
    %get3A_9 = arith.constant 0 : index
    %get3A_10 = arith.constant 0 : index
    %get3A_11 = vector.load %arg11[%get3A_9, %get3A_10] : memref<32x1xf32, #tpu.memory_space<vmem>>, vector<32x1xf32>
    %add3A = vector.broadcast %get3A_11 : vector<32x1xf32> to vector<32x4096xf32>
    %add3A_12 = arith.addf %mul3A_8, %add3A : vector<32x4096xf32>
    %neg3A = arith.constant 0.000000e+00 : f32
    %neg3A_13 = vector.broadcast %neg3A : f32 to vector<32x4096xf32>
    %neg3A_14 = arith.subf %neg3A_13, %add3A_12 : vector<32x4096xf32>
    %exp3A = math.exp %neg3A_14 : vector<32x4096xf32>
    %add3A_15 = arith.constant 1.000000e+00 : f32
    %add3A_16 = vector.broadcast %add3A_15 : f32 to vector<32x4096xf32>
    %add3A_17 = arith.addf %add3A_16, %exp3A : vector<32x4096xf32>
    %div3A = arith.constant 1.000000e+00 : f32
    %div3A_18 = vector.broadcast %div3A : f32 to vector<32x4096xf32>
    %div3A_19 = arith.divf %div3A_18, %add3A_17 : vector<32x4096xf32>
    %mul3A_20 = arith.mulf %add3A_12, %div3A_19 : vector<32x4096xf32>
    %get3A_21 = arith.constant 0 : index
    %get3A_22 = arith.constant 0 : index
    %get3A_23 = vector.load %arg12[%get3A_21, %get3A_22] : memref<32x32xf32, #tpu.memory_space<vmem>>, vector<32x32xf32>
    %dot_general3A = arith.constant dense<0.000000e+00> : vector<32x4096xf32>
    %dot_general3A_24 = tpu.matmul %get3A_23, %mul3A_20, %dot_general3A {dimension_numbers = #tpu.dot_dimension_numbers<[1], [0], [0], [1], [0, 0, 1, 1], [], []>, transpose_lhs_hint = false} : vector<32x32xf32>, vector<32x4096xf32>, vector<32x4096xf32> -> vector<32x4096xf32>
    %get3A_25 = arith.constant 0 : index
    %get3A_26 = arith.constant 0 : index
    %get3A_27 = vector.load %arg13[%get3A_25, %get3A_26] : memref<32x1xf32, #tpu.memory_space<vmem>>, vector<32x1xf32>
    %add3A_28 = vector.broadcast %get3A_27 : vector<32x1xf32> to vector<32x4096xf32>
    %add3A_29 = arith.addf %dot_general3A_24, %add3A_28 : vector<32x4096xf32>
    %neg3A_30 = arith.constant 0.000000e+00 : f32
    %neg3A_31 = vector.broadcast %neg3A_30 : f32 to vector<32x4096xf32>
    %neg3A_32 = arith.subf %neg3A_31, %add3A_29 : vector<32x4096xf32>
    %exp3A_33 = math.exp %neg3A_32 : vector<32x4096xf32>
    %add3A_34 = arith.constant 1.000000e+00 : f32
    %add3A_35 = vector.broadcast %add3A_34 : f32 to vector<32x4096xf32>
    %add3A_36 = arith.addf %add3A_35, %exp3A_33 : vector<32x4096xf32>
    %div3A_37 = arith.constant 1.000000e+00 : f32
    %div3A_38 = vector.broadcast %div3A_37 : f32 to vector<32x4096xf32>
    %div3A_39 = arith.divf %div3A_38, %add3A_36 : vector<32x4096xf32>
    %mul3A_40 = arith.mulf %add3A_29, %div3A_39 : vector<32x4096xf32>
    %get3A_41 = arith.constant 0 : index
    %get3A_42 = arith.constant 0 : index
    %get3A_43 = vector.load %arg10[%get3A_41, %get3A_42] : memref<32x1xf32, #tpu.memory_space<vmem>>, vector<32x1xf32>
    %slice3A_44 = vector.extract_strided_slice %sqrt3A {offsets = [1, 0], sizes = [1, 4096], strides = [1, 1]} : vector<8x4096xf32> to vector<1x4096xf32>
    %mul3A_45 = vector.broadcast %get3A_43 : vector<32x1xf32> to vector<32x4096xf32>
    %mul3A_46 = vector.broadcast %slice3A_44 : vector<1x4096xf32> to vector<32x4096xf32>
    %mul3A_47 = arith.mulf %mul3A_45, %mul3A_46 : vector<32x4096xf32>
    %get3A_48 = arith.constant 0 : index
    %get3A_49 = arith.constant 0 : index
    %get3A_50 = vector.load %arg11[%get3A_48, %get3A_49] : memref<32x1xf32, #tpu.memory_space<vmem>>, vector<32x1xf32>
    %add3A_51 = vector.broadcast %get3A_50 : vector<32x1xf32> to vector<32x4096xf32>
    %add3A_52 = arith.addf %mul3A_47, %add3A_51 : vector<32x4096xf32>
    %neg3A_53 = arith.constant 0.000000e+00 : f32
    %neg3A_54 = vector.broadcast %neg3A_53 : f32 to vector<32x4096xf32>
    %neg3A_55 = arith.subf %neg3A_54, %add3A_52 : vector<32x4096xf32>
    %exp3A_56 = math.exp %neg3A_55 : vector<32x4096xf32>
    %add3A_57 = arith.constant 1.000000e+00 : f32
    %add3A_58 = vector.broadcast %add3A_57 : f32 to vector<32x4096xf32>
    %add3A_59 = arith.addf %add3A_58, %exp3A_56 : vector<32x4096xf32>
    %div3A_60 = arith.constant 1.000000e+00 : f32
    %div3A_61 = vector.broadcast %div3A_60 : f32 to vector<32x4096xf32>
    %div3A_62 = arith.divf %div3A_61, %add3A_59 : vector<32x4096xf32>
    %mul3A_63 = arith.mulf %add3A_52, %div3A_62 : vector<32x4096xf32>
    %get3A_64 = arith.constant 0 : index
    %get3A_65 = arith.constant 0 : index
    %get3A_66 = vector.load %arg12[%get3A_64, %get3A_65] : memref<32x32xf32, #tpu.memory_space<vmem>>, vector<32x32xf32>
    %dot_general3A_67 = arith.constant dense<0.000000e+00> : vector<32x4096xf32>
    %dot_general3A_68 = tpu.matmul %get3A_66, %mul3A_63, %dot_general3A_67 {dimension_numbers = #tpu.dot_dimension_numbers<[1], [0], [0], [1], [0, 0, 1, 1], [], []>, transpose_lhs_hint = false} : vector<32x32xf32>, vector<32x4096xf32>, vector<32x4096xf32> -> vector<32x4096xf32>
    %get3A_69 = arith.constant 0 : index
    %get3A_70 = arith.constant 0 : index
    %get3A_71 = vector.load %arg13[%get3A_69, %get3A_70] : memref<32x1xf32, #tpu.memory_space<vmem>>, vector<32x1xf32>
    %add3A_72 = vector.broadcast %get3A_71 : vector<32x1xf32> to vector<32x4096xf32>
    %add3A_73 = arith.addf %dot_general3A_68, %add3A_72 : vector<32x4096xf32>
    %neg3A_74 = arith.constant 0.000000e+00 : f32
    %neg3A_75 = vector.broadcast %neg3A_74 : f32 to vector<32x4096xf32>
    %neg3A_76 = arith.subf %neg3A_75, %add3A_73 : vector<32x4096xf32>
    %exp3A_77 = math.exp %neg3A_76 : vector<32x4096xf32>
    %add3A_78 = arith.constant 1.000000e+00 : f32
    %add3A_79 = vector.broadcast %add3A_78 : f32 to vector<32x4096xf32>
    %add3A_80 = arith.addf %add3A_79, %exp3A_77 : vector<32x4096xf32>
    %div3A_81 = arith.constant 1.000000e+00 : f32
    %div3A_82 = vector.broadcast %div3A_81 : f32 to vector<32x4096xf32>
    %div3A_83 = arith.divf %div3A_82, %add3A_80 : vector<32x4096xf32>
    %mul3A_84 = arith.mulf %add3A_73, %div3A_83 : vector<32x4096xf32>
    %get3A_85 = arith.constant 0 : index
    %get3A_86 = arith.constant 0 : index
    %get3A_87 = vector.load %arg10[%get3A_85, %get3A_86] : memref<32x1xf32, #tpu.memory_space<vmem>>, vector<32x1xf32>
    %slice3A_88 = vector.extract_strided_slice %sqrt3A {offsets = [2, 0], sizes = [1, 4096], strides = [1, 1]} : vector<8x4096xf32> to vector<1x4096xf32>
    %mul3A_89 = vector.broadcast %get3A_87 : vector<32x1xf32> to vector<32x4096xf32>
    %mul3A_90 = vector.broadcast %slice3A_88 : vector<1x4096xf32> to vector<32x4096xf32>
    %mul3A_91 = arith.mulf %mul3A_89, %mul3A_90 : vector<32x4096xf32>
    %get3A_92 = arith.constant 0 : index
    %get3A_93 = arith.constant 0 : index
    %get3A_94 = vector.load %arg11[%get3A_92, %get3A_93] : memref<32x1xf32, #tpu.memory_space<vmem>>, vector<32x1xf32>
    %add3A_95 = vector.broadcast %get3A_94 : vector<32x1xf32> to vector<32x4096xf32>
    %add3A_96 = arith.addf %mul3A_91, %add3A_95 : vector<32x4096xf32>
    %neg3A_97 = arith.constant 0.000000e+00 : f32
    %neg3A_98 = vector.broadcast %neg3A_97 : f32 to vector<32x4096xf32>
    %neg3A_99 = arith.subf %neg3A_98, %add3A_96 : vector<32x4096xf32>
    %exp3A_100 = math.exp %neg3A_99 : vector<32x4096xf32>
    %add3A_101 = arith.constant 1.000000e+00 : f32
    %add3A_102 = vector.broadcast %add3A_101 : f32 to vector<32x4096xf32>
    %add3A_103 = arith.addf %add3A_102, %exp3A_100 : vector<32x4096xf32>
    %div3A_104 = arith.constant 1.000000e+00 : f32
    %div3A_105 = vector.broadcast %div3A_104 : f32 to vector<32x4096xf32>
    %div3A_106 = arith.divf %div3A_105, %add3A_103 : vector<32x4096xf32>
    %mul3A_107 = arith.mulf %add3A_96, %div3A_106 : vector<32x4096xf32>
    %get3A_108 = arith.constant 0 : index
    %get3A_109 = arith.constant 0 : index
    %get3A_110 = vector.load %arg12[%get3A_108, %get3A_109] : memref<32x32xf32, #tpu.memory_space<vmem>>, vector<32x32xf32>
    %dot_general3A_111 = arith.constant dense<0.000000e+00> : vector<32x4096xf32>
    %dot_general3A_112 = tpu.matmul %get3A_110, %mul3A_107, %dot_general3A_111 {dimension_numbers = #tpu.dot_dimension_numbers<[1], [0], [0], [1], [0, 0, 1, 1], [], []>, transpose_lhs_hint = false} : vector<32x32xf32>, vector<32x4096xf32>, vector<32x4096xf32> -> vector<32x4096xf32>
    %get3A_113 = arith.constant 0 : index
    %get3A_114 = arith.constant 0 : index
    %get3A_115 = vector.load %arg13[%get3A_113, %get3A_114] : memref<32x1xf32, #tpu.memory_space<vmem>>, vector<32x1xf32>
    %add3A_116 = vector.broadcast %get3A_115 : vector<32x1xf32> to vector<32x4096xf32>
    %add3A_117 = arith.addf %dot_general3A_112, %add3A_116 : vector<32x4096xf32>
    %neg3A_118 = arith.constant 0.000000e+00 : f32
    %neg3A_119 = vector.broadcast %neg3A_118 : f32 to vector<32x4096xf32>
    %neg3A_120 = arith.subf %neg3A_119, %add3A_117 : vector<32x4096xf32>
    %exp3A_121 = math.exp %neg3A_120 : vector<32x4096xf32>
    %add3A_122 = arith.constant 1.000000e+00 : f32
    %add3A_123 = vector.broadcast %add3A_122 : f32 to vector<32x4096xf32>
    %add3A_124 = arith.addf %add3A_123, %exp3A_121 : vector<32x4096xf32>
    %div3A_125 = arith.constant 1.000000e+00 : f32
    %div3A_126 = vector.broadcast %div3A_125 : f32 to vector<32x4096xf32>
    %div3A_127 = arith.divf %div3A_126, %add3A_124 : vector<32x4096xf32>
    %mul3A_128 = arith.mulf %add3A_117, %div3A_127 : vector<32x4096xf32>
    %get3A_129 = arith.constant 0 : index
    %get3A_130 = arith.constant 0 : index
    %get3A_131 = vector.load %arg10[%get3A_129, %get3A_130] : memref<32x1xf32, #tpu.memory_space<vmem>>, vector<32x1xf32>
    %slice3A_132 = vector.extract_strided_slice %sqrt3A {offsets = [3, 0], sizes = [1, 4096], strides = [1, 1]} : vector<8x4096xf32> to vector<1x4096xf32>
    %mul3A_133 = vector.broadcast %get3A_131 : vector<32x1xf32> to vector<32x4096xf32>
    %mul3A_134 = vector.broadcast %slice3A_132 : vector<1x4096xf32> to vector<32x4096xf32>
    %mul3A_135 = arith.mulf %mul3A_133, %mul3A_134 : vector<32x4096xf32>
    %get3A_136 = arith.constant 0 : index
    %get3A_137 = arith.constant 0 : index
    %get3A_138 = vector.load %arg11[%get3A_136, %get3A_137] : memref<32x1xf32, #tpu.memory_space<vmem>>, vector<32x1xf32>
    %add3A_139 = vector.broadcast %get3A_138 : vector<32x1xf32> to vector<32x4096xf32>
    %add3A_140 = arith.addf %mul3A_135, %add3A_139 : vector<32x4096xf32>
    %neg3A_141 = arith.constant 0.000000e+00 : f32
    %neg3A_142 = vector.broadcast %neg3A_141 : f32 to vector<32x4096xf32>
    %neg3A_143 = arith.subf %neg3A_142, %add3A_140 : vector<32x4096xf32>
    %exp3A_144 = math.exp %neg3A_143 : vector<32x4096xf32>
    %add3A_145 = arith.constant 1.000000e+00 : f32
    %add3A_146 = vector.broadcast %add3A_145 : f32 to vector<32x4096xf32>
    %add3A_147 = arith.addf %add3A_146, %exp3A_144 : vector<32x4096xf32>
    %div3A_148 = arith.constant 1.000000e+00 : f32
    %div3A_149 = vector.broadcast %div3A_148 : f32 to vector<32x4096xf32>
    %div3A_150 = arith.divf %div3A_149, %add3A_147 : vector<32x4096xf32>
    %mul3A_151 = arith.mulf %add3A_140, %div3A_150 : vector<32x4096xf32>
    %get3A_152 = arith.constant 0 : index
    %get3A_153 = arith.constant 0 : index
    %get3A_154 = vector.load %arg12[%get3A_152, %get3A_153] : memref<32x32xf32, #tpu.memory_space<vmem>>, vector<32x32xf32>
    %dot_general3A_155 = arith.constant dense<0.000000e+00> : vector<32x4096xf32>
    %dot_general3A_156 = tpu.matmul %get3A_154, %mul3A_151, %dot_general3A_155 {dimension_numbers = #tpu.dot_dimension_numbers<[1], [0], [0], [1], [0, 0, 1, 1], [], []>, transpose_lhs_hint = false} : vector<32x32xf32>, vector<32x4096xf32>, vector<32x4096xf32> -> vector<32x4096xf32>
    %get3A_157 = arith.constant 0 : index
    %get3A_158 = arith.constant 0 : index
    %get3A_159 = vector.load %arg13[%get3A_157, %get3A_158] : memref<32x1xf32, #tpu.memory_space<vmem>>, vector<32x1xf32>
    %add3A_160 = vector.broadcast %get3A_159 : vector<32x1xf32> to vector<32x4096xf32>
    %add3A_161 = arith.addf %dot_general3A_156, %add3A_160 : vector<32x4096xf32>
    %neg3A_162 = arith.constant 0.000000e+00 : f32
    %neg3A_163 = vector.broadcast %neg3A_162 : f32 to vector<32x4096xf32>
    %neg3A_164 = arith.subf %neg3A_163, %add3A_161 : vector<32x4096xf32>
    %exp3A_165 = math.exp %neg3A_164 : vector<32x4096xf32>
    %add3A_166 = arith.constant 1.000000e+00 : f32
    %add3A_167 = vector.broadcast %add3A_166 : f32 to vector<32x4096xf32>
    %add3A_168 = arith.addf %add3A_167, %exp3A_165 : vector<32x4096xf32>
    %div3A_169 = arith.constant 1.000000e+00 : f32
    %div3A_170 = vector.broadcast %div3A_169 : f32 to vector<32x4096xf32>
    %div3A_171 = arith.divf %div3A_170, %add3A_168 : vector<32x4096xf32>
    %mul3A_172 = arith.mulf %add3A_161, %div3A_171 : vector<32x4096xf32>
    %get3A_173 = arith.constant 0 : index
    %get3A_174 = arith.constant 0 : index
    %get3A_175 = vector.load %arg10[%get3A_173, %get3A_174] : memref<32x1xf32, #tpu.memory_space<vmem>>, vector<32x1xf32>
    %slice3A_176 = vector.extract_strided_slice %sqrt3A {offsets = [4, 0], sizes = [1, 4096], strides = [1, 1]} : vector<8x4096xf32> to vector<1x4096xf32>
    %mul3A_177 = vector.broadcast %get3A_175 : vector<32x1xf32> to vector<32x4096xf32>
    %mul3A_178 = vector.broadcast %slice3A_176 : vector<1x4096xf32> to vector<32x4096xf32>
    %mul3A_179 = arith.mulf %mul3A_177, %mul3A_178 : vector<32x4096xf32>
    %get3A_180 = arith.constant 0 : index
    %get3A_181 = arith.constant 0 : index
    %get3A_182 = vector.load %arg11[%get3A_180, %get3A_181] : memref<32x1xf32, #tpu.memory_space<vmem>>, vector<32x1xf32>
    %add3A_183 = vector.broadcast %get3A_182 : vector<32x1xf32> to vector<32x4096xf32>
    %add3A_184 = arith.addf %mul3A_179, %add3A_183 : vector<32x4096xf32>
    %neg3A_185 = arith.constant 0.000000e+00 : f32
    %neg3A_186 = vector.broadcast %neg3A_185 : f32 to vector<32x4096xf32>
    %neg3A_187 = arith.subf %neg3A_186, %add3A_184 : vector<32x4096xf32>
    %exp3A_188 = math.exp %neg3A_187 : vector<32x4096xf32>
    %add3A_189 = arith.constant 1.000000e+00 : f32
    %add3A_190 = vector.broadcast %add3A_189 : f32 to vector<32x4096xf32>
    %add3A_191 = arith.addf %add3A_190, %exp3A_188 : vector<32x4096xf32>
    %div3A_192 = arith.constant 1.000000e+00 : f32
    %div3A_193 = vector.broadcast %div3A_192 : f32 to vector<32x4096xf32>
    %div3A_194 = arith.divf %div3A_193, %add3A_191 : vector<32x4096xf32>
    %mul3A_195 = arith.mulf %add3A_184, %div3A_194 : vector<32x4096xf32>
    %get3A_196 = arith.constant 0 : index
    %get3A_197 = arith.constant 0 : index
    %get3A_198 = vector.load %arg12[%get3A_196, %get3A_197] : memref<32x32xf32, #tpu.memory_space<vmem>>, vector<32x32xf32>
    %dot_general3A_199 = arith.constant dense<0.000000e+00> : vector<32x4096xf32>
    %dot_general3A_200 = tpu.matmul %get3A_198, %mul3A_195, %dot_general3A_199 {dimension_numbers = #tpu.dot_dimension_numbers<[1], [0], [0], [1], [0, 0, 1, 1], [], []>, transpose_lhs_hint = false} : vector<32x32xf32>, vector<32x4096xf32>, vector<32x4096xf32> -> vector<32x4096xf32>
    %get3A_201 = arith.constant 0 : index
    %get3A_202 = arith.constant 0 : index
    %get3A_203 = vector.load %arg13[%get3A_201, %get3A_202] : memref<32x1xf32, #tpu.memory_space<vmem>>, vector<32x1xf32>
    %add3A_204 = vector.broadcast %get3A_203 : vector<32x1xf32> to vector<32x4096xf32>
    %add3A_205 = arith.addf %dot_general3A_200, %add3A_204 : vector<32x4096xf32>
    %neg3A_206 = arith.constant 0.000000e+00 : f32
    %neg3A_207 = vector.broadcast %neg3A_206 : f32 to vector<32x4096xf32>
    %neg3A_208 = arith.subf %neg3A_207, %add3A_205 : vector<32x4096xf32>
    %exp3A_209 = math.exp %neg3A_208 : vector<32x4096xf32>
    %add3A_210 = arith.constant 1.000000e+00 : f32
    %add3A_211 = vector.broadcast %add3A_210 : f32 to vector<32x4096xf32>
    %add3A_212 = arith.addf %add3A_211, %exp3A_209 : vector<32x4096xf32>
    %div3A_213 = arith.constant 1.000000e+00 : f32
    %div3A_214 = vector.broadcast %div3A_213 : f32 to vector<32x4096xf32>
    %div3A_215 = arith.divf %div3A_214, %add3A_212 : vector<32x4096xf32>
    %mul3A_216 = arith.mulf %add3A_205, %div3A_215 : vector<32x4096xf32>
    %get3A_217 = arith.constant 0 : index
    %get3A_218 = arith.constant 0 : index
    %get3A_219 = vector.load %arg10[%get3A_217, %get3A_218] : memref<32x1xf32, #tpu.memory_space<vmem>>, vector<32x1xf32>
    %slice3A_220 = vector.extract_strided_slice %sqrt3A {offsets = [5, 0], sizes = [1, 4096], strides = [1, 1]} : vector<8x4096xf32> to vector<1x4096xf32>
    %mul3A_221 = vector.broadcast %get3A_219 : vector<32x1xf32> to vector<32x4096xf32>
    %mul3A_222 = vector.broadcast %slice3A_220 : vector<1x4096xf32> to vector<32x4096xf32>
    %mul3A_223 = arith.mulf %mul3A_221, %mul3A_222 : vector<32x4096xf32>
    %get3A_224 = arith.constant 0 : index
    %get3A_225 = arith.constant 0 : index
    %get3A_226 = vector.load %arg11[%get3A_224, %get3A_225] : memref<32x1xf32, #tpu.memory_space<vmem>>, vector<32x1xf32>
    %add3A_227 = vector.broadcast %get3A_226 : vector<32x1xf32> to vector<32x4096xf32>
    %add3A_228 = arith.addf %mul3A_223, %add3A_227 : vector<32x4096xf32>
    %neg3A_229 = arith.constant 0.000000e+00 : f32
    %neg3A_230 = vector.broadcast %neg3A_229 : f32 to vector<32x4096xf32>
    %neg3A_231 = arith.subf %neg3A_230, %add3A_228 : vector<32x4096xf32>
    %exp3A_232 = math.exp %neg3A_231 : vector<32x4096xf32>
    %add3A_233 = arith.constant 1.000000e+00 : f32
    %add3A_234 = vector.broadcast %add3A_233 : f32 to vector<32x4096xf32>
    %add3A_235 = arith.addf %add3A_234, %exp3A_232 : vector<32x4096xf32>
    %div3A_236 = arith.constant 1.000000e+00 : f32
    %div3A_237 = vector.broadcast %div3A_236 : f32 to vector<32x4096xf32>
    %div3A_238 = arith.divf %div3A_237, %add3A_235 : vector<32x4096xf32>
    %mul3A_239 = arith.mulf %add3A_228, %div3A_238 : vector<32x4096xf32>
    %get3A_240 = arith.constant 0 : index
    %get3A_241 = arith.constant 0 : index
    %get3A_242 = vector.load %arg12[%get3A_240, %get3A_241] : memref<32x32xf32, #tpu.memory_space<vmem>>, vector<32x32xf32>
    %dot_general3A_243 = arith.constant dense<0.000000e+00> : vector<32x4096xf32>
    %dot_general3A_244 = tpu.matmul %get3A_242, %mul3A_239, %dot_general3A_243 {dimension_numbers = #tpu.dot_dimension_numbers<[1], [0], [0], [1], [0, 0, 1, 1], [], []>, transpose_lhs_hint = false} : vector<32x32xf32>, vector<32x4096xf32>, vector<32x4096xf32> -> vector<32x4096xf32>
    %get3A_245 = arith.constant 0 : index
    %get3A_246 = arith.constant 0 : index
    %get3A_247 = vector.load %arg13[%get3A_245, %get3A_246] : memref<32x1xf32, #tpu.memory_space<vmem>>, vector<32x1xf32>
    %add3A_248 = vector.broadcast %get3A_247 : vector<32x1xf32> to vector<32x4096xf32>
    %add3A_249 = arith.addf %dot_general3A_244, %add3A_248 : vector<32x4096xf32>
    %neg3A_250 = arith.constant 0.000000e+00 : f32
    %neg3A_251 = vector.broadcast %neg3A_250 : f32 to vector<32x4096xf32>
    %neg3A_252 = arith.subf %neg3A_251, %add3A_249 : vector<32x4096xf32>
    %exp3A_253 = math.exp %neg3A_252 : vector<32x4096xf32>
    %add3A_254 = arith.constant 1.000000e+00 : f32
    %add3A_255 = vector.broadcast %add3A_254 : f32 to vector<32x4096xf32>
    %add3A_256 = arith.addf %add3A_255, %exp3A_253 : vector<32x4096xf32>
    %div3A_257 = arith.constant 1.000000e+00 : f32
    %div3A_258 = vector.broadcast %div3A_257 : f32 to vector<32x4096xf32>
    %div3A_259 = arith.divf %div3A_258, %add3A_256 : vector<32x4096xf32>
    %mul3A_260 = arith.mulf %add3A_249, %div3A_259 : vector<32x4096xf32>
    %get3A_261 = arith.constant 0 : index
    %get3A_262 = arith.constant 0 : index
    %get3A_263 = vector.load %arg10[%get3A_261, %get3A_262] : memref<32x1xf32, #tpu.memory_space<vmem>>, vector<32x1xf32>
    %slice3A_264 = vector.extract_strided_slice %sqrt3A {offsets = [6, 0], sizes = [1, 4096], strides = [1, 1]} : vector<8x4096xf32> to vector<1x4096xf32>
    %mul3A_265 = vector.broadcast %get3A_263 : vector<32x1xf32> to vector<32x4096xf32>
    %mul3A_266 = vector.broadcast %slice3A_264 : vector<1x4096xf32> to vector<32x4096xf32>
    %mul3A_267 = arith.mulf %mul3A_265, %mul3A_266 : vector<32x4096xf32>
    %get3A_268 = arith.constant 0 : index
    %get3A_269 = arith.constant 0 : index
    %get3A_270 = vector.load %arg11[%get3A_268, %get3A_269] : memref<32x1xf32, #tpu.memory_space<vmem>>, vector<32x1xf32>
    %add3A_271 = vector.broadcast %get3A_270 : vector<32x1xf32> to vector<32x4096xf32>
    %add3A_272 = arith.addf %mul3A_267, %add3A_271 : vector<32x4096xf32>
    %neg3A_273 = arith.constant 0.000000e+00 : f32
    %neg3A_274 = vector.broadcast %neg3A_273 : f32 to vector<32x4096xf32>
    %neg3A_275 = arith.subf %neg3A_274, %add3A_272 : vector<32x4096xf32>
    %exp3A_276 = math.exp %neg3A_275 : vector<32x4096xf32>
    %add3A_277 = arith.constant 1.000000e+00 : f32
    %add3A_278 = vector.broadcast %add3A_277 : f32 to vector<32x4096xf32>
    %add3A_279 = arith.addf %add3A_278, %exp3A_276 : vector<32x4096xf32>
    %div3A_280 = arith.constant 1.000000e+00 : f32
    %div3A_281 = vector.broadcast %div3A_280 : f32 to vector<32x4096xf32>
    %div3A_282 = arith.divf %div3A_281, %add3A_279 : vector<32x4096xf32>
    %mul3A_283 = arith.mulf %add3A_272, %div3A_282 : vector<32x4096xf32>
    %get3A_284 = arith.constant 0 : index
    %get3A_285 = arith.constant 0 : index
    %get3A_286 = vector.load %arg12[%get3A_284, %get3A_285] : memref<32x32xf32, #tpu.memory_space<vmem>>, vector<32x32xf32>
    %dot_general3A_287 = arith.constant dense<0.000000e+00> : vector<32x4096xf32>
    %dot_general3A_288 = tpu.matmul %get3A_286, %mul3A_283, %dot_general3A_287 {dimension_numbers = #tpu.dot_dimension_numbers<[1], [0], [0], [1], [0, 0, 1, 1], [], []>, transpose_lhs_hint = false} : vector<32x32xf32>, vector<32x4096xf32>, vector<32x4096xf32> -> vector<32x4096xf32>
    %get3A_289 = arith.constant 0 : index
    %get3A_290 = arith.constant 0 : index
    %get3A_291 = vector.load %arg13[%get3A_289, %get3A_290] : memref<32x1xf32, #tpu.memory_space<vmem>>, vector<32x1xf32>
    %add3A_292 = vector.broadcast %get3A_291 : vector<32x1xf32> to vector<32x4096xf32>
    %add3A_293 = arith.addf %dot_general3A_288, %add3A_292 : vector<32x4096xf32>
    %neg3A_294 = arith.constant 0.000000e+00 : f32
    %neg3A_295 = vector.broadcast %neg3A_294 : f32 to vector<32x4096xf32>
    %neg3A_296 = arith.subf %neg3A_295, %add3A_293 : vector<32x4096xf32>
    %exp3A_297 = math.exp %neg3A_296 : vector<32x4096xf32>
    %add3A_298 = arith.constant 1.000000e+00 : f32
    %add3A_299 = vector.broadcast %add3A_298 : f32 to vector<32x4096xf32>
    %add3A_300 = arith.addf %add3A_299, %exp3A_297 : vector<32x4096xf32>
    %div3A_301 = arith.constant 1.000000e+00 : f32
    %div3A_302 = vector.broadcast %div3A_301 : f32 to vector<32x4096xf32>
    %div3A_303 = arith.divf %div3A_302, %add3A_300 : vector<32x4096xf32>
    %mul3A_304 = arith.mulf %add3A_293, %div3A_303 : vector<32x4096xf32>
    %get3A_305 = arith.constant 0 : index
    %get3A_306 = arith.constant 0 : index
    %get3A_307 = vector.load %arg10[%get3A_305, %get3A_306] : memref<32x1xf32, #tpu.memory_space<vmem>>, vector<32x1xf32>
    %slice3A_308 = vector.extract_strided_slice %sqrt3A {offsets = [7, 0], sizes = [1, 4096], strides = [1, 1]} : vector<8x4096xf32> to vector<1x4096xf32>
    %mul3A_309 = vector.broadcast %get3A_307 : vector<32x1xf32> to vector<32x4096xf32>
    %mul3A_310 = vector.broadcast %slice3A_308 : vector<1x4096xf32> to vector<32x4096xf32>
    %mul3A_311 = arith.mulf %mul3A_309, %mul3A_310 : vector<32x4096xf32>
    %get3A_312 = arith.constant 0 : index
    %get3A_313 = arith.constant 0 : index
    %get3A_314 = vector.load %arg11[%get3A_312, %get3A_313] : memref<32x1xf32, #tpu.memory_space<vmem>>, vector<32x1xf32>
    %add3A_315 = vector.broadcast %get3A_314 : vector<32x1xf32> to vector<32x4096xf32>
    %add3A_316 = arith.addf %mul3A_311, %add3A_315 : vector<32x4096xf32>
    %neg3A_317 = arith.constant 0.000000e+00 : f32
    %neg3A_318 = vector.broadcast %neg3A_317 : f32 to vector<32x4096xf32>
    %neg3A_319 = arith.subf %neg3A_318, %add3A_316 : vector<32x4096xf32>
    %exp3A_320 = math.exp %neg3A_319 : vector<32x4096xf32>
    %add3A_321 = arith.constant 1.000000e+00 : f32
    %add3A_322 = vector.broadcast %add3A_321 : f32 to vector<32x4096xf32>
    %add3A_323 = arith.addf %add3A_322, %exp3A_320 : vector<32x4096xf32>
    %div3A_324 = arith.constant 1.000000e+00 : f32
    %div3A_325 = vector.broadcast %div3A_324 : f32 to vector<32x4096xf32>
    %div3A_326 = arith.divf %div3A_325, %add3A_323 : vector<32x4096xf32>
    %mul3A_327 = arith.mulf %add3A_316, %div3A_326 : vector<32x4096xf32>
    %get3A_328 = arith.constant 0 : index
    %get3A_329 = arith.constant 0 : index
    %get3A_330 = vector.load %arg12[%get3A_328, %get3A_329] : memref<32x32xf32, #tpu.memory_space<vmem>>, vector<32x32xf32>
    %dot_general3A_331 = arith.constant dense<0.000000e+00> : vector<32x4096xf32>
    %dot_general3A_332 = tpu.matmul %get3A_330, %mul3A_327, %dot_general3A_331 {dimension_numbers = #tpu.dot_dimension_numbers<[1], [0], [0], [1], [0, 0, 1, 1], [], []>, transpose_lhs_hint = false} : vector<32x32xf32>, vector<32x4096xf32>, vector<32x4096xf32> -> vector<32x4096xf32>
    %get3A_333 = arith.constant 0 : index
    %get3A_334 = arith.constant 0 : index
    %get3A_335 = vector.load %arg13[%get3A_333, %get3A_334] : memref<32x1xf32, #tpu.memory_space<vmem>>, vector<32x1xf32>
    %add3A_336 = vector.broadcast %get3A_335 : vector<32x1xf32> to vector<32x4096xf32>
    %add3A_337 = arith.addf %dot_general3A_332, %add3A_336 : vector<32x4096xf32>
    %neg3A_338 = arith.constant 0.000000e+00 : f32
    %neg3A_339 = vector.broadcast %neg3A_338 : f32 to vector<32x4096xf32>
    %neg3A_340 = arith.subf %neg3A_339, %add3A_337 : vector<32x4096xf32>
    %exp3A_341 = math.exp %neg3A_340 : vector<32x4096xf32>
    %add3A_342 = arith.constant 1.000000e+00 : f32
    %add3A_343 = vector.broadcast %add3A_342 : f32 to vector<32x4096xf32>
    %add3A_344 = arith.addf %add3A_343, %exp3A_341 : vector<32x4096xf32>
    %div3A_345 = arith.constant 1.000000e+00 : f32
    %div3A_346 = vector.broadcast %div3A_345 : f32 to vector<32x4096xf32>
    %div3A_347 = arith.divf %div3A_346, %add3A_344 : vector<32x4096xf32>
    %mul3A_348 = arith.mulf %add3A_337, %div3A_347 : vector<32x4096xf32>
    %concatenate3A = tpu.concatenate %mul3A_40, %mul3A_84, %mul3A_128, %mul3A_172, %mul3A_216, %mul3A_260, %mul3A_304, %mul3A_348 in 0 : vector<32x4096xf32>, vector<32x4096xf32>, vector<32x4096xf32>, vector<32x4096xf32>, vector<32x4096xf32>, vector<32x4096xf32>, vector<32x4096xf32>, vector<32x4096xf32> -> vector<256x4096xf32>
    %get3A_349 = arith.constant 0 : index
    %get3A_350 = arith.constant 0 : index
    %get3A_351 = vector.load %arg17[%get3A_349, %get3A_350] : memref<128x256xf32, #tpu.memory_space<vmem>>, vector<128x256xf32>
    %dot_general3A_352 = arith.constant dense<0.000000e+00> : vector<4096x128xf32>
    %dot_general3A_353 = tpu.matmul %concatenate3A, %get3A_351, %dot_general3A_352 {dimension_numbers = #tpu.dot_dimension_numbers<[0], [1], [1], [0], [0, 1, 1, 0], [], []>, transpose_lhs_hint = true} : vector<256x4096xf32>, vector<128x256xf32>, vector<4096x128xf32> -> vector<4096x128xf32>
    %get3A_354 = arith.constant 0 : index
    %get3A_355 = arith.constant 0 : index
    %get3A_356 = vector.load %arg18[%get3A_354, %get3A_355] : memref<1x128xf32, #tpu.memory_space<vmem>>, vector<1x128xf32>
    %add3A_357 = vector.broadcast %get3A_356 : vector<1x128xf32> to vector<4096x128xf32>
    %add3A_358 = arith.addf %dot_general3A_353, %add3A_357 : vector<4096x128xf32>
    %swap3A = arith.constant 0 : index
    %swap3A_359 = arith.constant 0 : index
    %swap3A_360 = vector.load %arg16[%swap3A, %swap3A_359] : memref<4096x128xf32, #tpu.memory_space<vmem>>, vector<4096x128xf32>
    tpu.vector_store %arg16[%swap3A, %swap3A_359], %add3A_358 {strides = array<i32>} : memref<4096x128xf32, #tpu.memory_space<vmem>>, vector<4096x128xf32>,
    return
  }
  func.func @transform_0(%arg0: i32) -> (i32, i32) {
    %c0_i32 = arith.constant 0 : i32
    %c0_i32_0 = arith.constant 0 : i32
    return %c0_i32, %arg0 : i32, i32
  }
  func.func @transform_1(%arg0: i32) -> (i32, i32) {
    %c0_i32 = arith.constant 0 : i32
    %c0_i32_0 = arith.constant 0 : i32
    %c0_i32_1 = arith.constant 0 : i32
    return %c0_i32, %c0_i32_0 : i32, i32
  }
  func.func @transform_2(%arg0: i32) -> (i32, i32) {
    %c0_i32 = arith.constant 0 : i32
    %c0_i32_0 = arith.constant 0 : i32
    %c0_i32_1 = arith.constant 0 : i32
    return %c0_i32, %c0_i32_0 : i32, i32
  }
  func.func @transform_3(%arg0: i32) -> (i32, i32) {
    %c0_i32 = arith.constant 0 : i32
    %c0_i32_0 = arith.constant 0 : i32
    %c0_i32_1 = arith.constant 0 : i32
    return %c0_i32, %c0_i32_0 : i32, i32
  }
  func.func @transform_4(%arg0: i32) -> (i32, i32) {
    %c0_i32 = arith.constant 0 : i32
    %c0_i32_0 = arith.constant 0 : i32
    %c0_i32_1 = arith.constant 0 : i32
    return %c0_i32, %c0_i32_0 : i32, i32
  }
  func.func @transform_5(%arg0: i32) -> (i32, i32) {
    %c0_i32 = arith.constant 0 : i32
    %c0_i32_0 = arith.constant 0 : i32
    %c0_i32_1 = arith.constant 0 : i32
    return %c0_i32, %c0_i32_0 : i32, i32
  }
  func.func @transform_6(%arg0: i32) -> (i32, i32) {
    %c0_i32 = arith.constant 0 : i32
    %c0_i32_0 = arith.constant 0 : i32
    %c0_i32_1 = arith.constant 0 : i32
    return %c0_i32, %c0_i32_0 : i32, i32
  }
  func.func @transform_7(%arg0: i32) -> (i32, i32) {
    %c0_i32 = arith.constant 0 : i32
    %c0_i32_0 = arith.constant 0 : i32
    %c0_i32_1 = arith.constant 0 : i32
    return %c0_i32, %c0_i32_0 : i32, i32
  }
  func.func @transform_8(%arg0: i32) -> (i32, i32) {
    %c0_i32 = arith.constant 0 : i32
    %c0_i32_0 = arith.constant 0 : i32
    %c0_i32_1 = arith.constant 0 : i32
    return %c0_i32, %c0_i32_0 : i32, i32
  }
  func.func @transform_9(%arg0: i32) -> (i32, i32) {
    %c0_i32 = arith.constant 0 : i32
    %c0_i32_0 = arith.constant 0 : i32
    %c0_i32_1 = arith.constant 0 : i32
    return %c0_i32, %c0_i32_0 : i32, i32
  }
  func.func @transform_10(%arg0: i32) -> (i32, i32) {
    %c0_i32 = arith.constant 0 : i32
    %c0_i32_0 = arith.constant 0 : i32
    %c0_i32_1 = arith.constant 0 : i32
    return %c0_i32, %c0_i32_0 : i32, i32
  }
  func.func @transform_11(%arg0: i32) -> (i32, i32) {
    %c0_i32 = arith.constant 0 : i32
    %c0_i32_0 = arith.constant 0 : i32
    %c0_i32_1 = arith.constant 0 : i32
    return %c0_i32, %c0_i32_0 : i32, i32
  }
  func.func @transform_12(%arg0: i32) -> (i32, i32) {
    %c0_i32 = arith.constant 0 : i32
    %c0_i32_0 = arith.constant 0 : i32
    %c0_i32_1 = arith.constant 0 : i32
    return %c0_i32, %c0_i32_0 : i32, i32
  }
  func.func @transform_13(%arg0: i32) -> (i32, i32) {
    %c0_i32 = arith.constant 0 : i32
    %c0_i32_0 = arith.constant 0 : i32
    %c0_i32_1 = arith.constant 0 : i32
    return %c0_i32, %c0_i32_0 : i32, i32
  }
  func.func @transform_14(%arg0: i32) -> (i32, i32) {
    %c0_i32 = arith.constant 0 : i32
    %c0_i32_0 = arith.constant 0 : i32
    %c0_i32_1 = arith.constant 0 : i32
    return %c0_i32, %c0_i32_0 : i32, i32
  }
  func.func @transform_15(%arg0: i32) -> (i32, i32) {
    %c0_i32 = arith.constant 0 : i32
    %c0_i32_0 = arith.constant 0 : i32
    return %arg0, %c0_i32 : i32, i32
  }
}

module attributes {stable_mosaic.version = 14 : i64} {
  func.func @body(%arg0: memref<2x1264x128xf32, #tpu.memory_space<vmem>>, %arg1: memref<1264x128xf32, #tpu.memory_space<vmem>>) attributes {dimension_semantics = [], scalar_prefetch = 0 : i64, scratch_operands = 0 : i64, tpu.core_type = #tpu.core_type<tc>} {
    %get3A = arith.constant 0 : index
    %get3A_0 = arith.constant 0 : index
    %get3A_1 = arith.constant 0 : index
    %get3A_2 = vector.load %arg0[%get3A, %get3A_0, %get3A_1] : memref<2x1264x128xf32, #tpu.memory_space<vmem>>, vector<1x1264x128xf32>
    %get3A_3 = vector.shape_cast %get3A_2 : vector<1x1264x128xf32> to vector<1264x128xf32>
    %get3A_4 = arith.constant 1 : index
    %get3A_5 = arith.constant 0 : index
    %get3A_6 = arith.constant 0 : index
    %get3A_7 = vector.load %arg0[%get3A_4, %get3A_5, %get3A_6] : memref<2x1264x128xf32, #tpu.memory_space<vmem>>, vector<1x1264x128xf32>
    %get3A_8 = vector.shape_cast %get3A_7 : vector<1x1264x128xf32> to vector<1264x128xf32>
    %add3A = arith.addf %get3A_3, %get3A_8 : vector<1264x128xf32>
    %swap3A = arith.constant 0 : index
    %swap3A_9 = arith.constant 0 : index
    %swap3A_10 = vector.load %arg1[%swap3A, %swap3A_9] : memref<1264x128xf32, #tpu.memory_space<vmem>>, vector<1264x128xf32>
    tpu.vector_store %arg1[%swap3A, %swap3A_9], %add3A {strides = array<i32>} : memref<1264x128xf32, #tpu.memory_space<vmem>>, vector<1264x128xf32>,
    return
  }
}

</mosaic_0001>

<sc_bundles>
// kernel: kernel.6.cloned.1.call-start
scs
__scs_entry_jumppad:
0x0: {  	(pc) =	sbr.rel $0x88, $3  }
0x1: {  	(tag) =	ssettag $0x0;
	lr =	simm.s32 $0x1  }
0x2: {  	[smem:$0x3F98] =	sst lr;
	_ =	strace $0xD0000000  }
0x3: {  	_ = 	snop  }
0x4: {  	_ = 	snop  }
0x5: {  	_ = 	snop  }
0x6: {  	_ = 	snop  }
0x7: {  	_ = 	snop  }
__scs_overlays_trampoline_lowered:
0x8: {  	[smem:$0x3FA7] =	sst s0  }
0x9: {  	[smem:$0x3FA8] =	sst s1  }
0xa: {  	[smem:$0x3FA9] =	sst s2  }
0xb: {  	[smem:$0x3FAA] =	sst s3  }
0xc: {  	[smem:$0x3FAB] =	sst s4  }
0xd: {  	[smem:$0x3FAC] =	sst s5  }
0xe: {  	[smem:$0x3FAD] =	sst s6  }
0xf: {  	[smem:$0x3FAE] =	sst s7  }
0x10: {  	[smem:$0x3FAF] =	sst s8  }
0x11: {  	[smem:$0x3FB0] =	sst s9;
	s0 =	simm.s32 @!p0 $0x0  }
0x12: {  	s1 =	sld [smem:$0x3F96];
	s0 =	simm.s32 @p0 $0x1  }
0x13: {  	[smem:$0x3FB1] =	sst s0;
	s0 =	simm.s32 @!p1 $0x0  }
0x14: {  	s2 =	sld [smem:$0x3F95];
	s0 =	simm.s32 @p1 $0x1  }
0x15: {  	[smem:$0x3FB2] =	sst s0;
	s0 =	simm.s32 @!p2 $0x0  }
0x16: {  	s3 =	sld [smem:$0x3FDB];
	s0 =	simm.s32 @p2 $0x1  }
0x17: {  	s4 =	simm.s32 $0x1BF5;
	[smem:$0x3FB4] =	sst s0  }
0x18: {  	s0 =	sld [smem:$0x3F97];
	_ =	swait.ge [sflag:s4], $0x0  }
0x19: {  	s7 =	sld [smem:$0x3F98]  }
0x1a: {  	s8 =	sadd.s32 $0xFFFFE003, lr  }
0x1b: {  	s9 =	sadd.s32 $0xFFFFFEF7, lr;
	s5 =	simm.s32 $0xFFFFFFFF;
	p2 =	slt.u32 s8, $0xFFFFF086  }
0x1c: {  	p1 =	slt.u32 s9, $0xF7A;
	s5 =	simm.s32 @!p2 $0x0  }
0x1d: {  	s5 =	simm.s32 @p1 $0x1;
	p0 =	seq.s32 s7, s2  }
0x1e: {  	s7 =	smul.u32 @!p0 $0xF7A, s2;
	p2 =	seq.s32 @!p0 s5, $0x0  }
0x1f: {  	s9 =	smul.u32 $0xF7A, s1;
	s8 =	simm.s32 @!p0 $0x1BF5;
	p2 =	por !p2, p0  }
0x20: {  	[sflag:s8] =	ssyncset.s32 @!p0 $0xFFFFF086;
	s6 =	sadd.s32 @!p0 s3, s7;
	s7 =	simm.s32 @!p0 $0x108  }
0x21: {  	s3 =	sadd.s32 s3, s9;
	s6 =	sadd.s32 @!p0 $0x88, s6;
	s7 =	simm.s32 @p2 $0x1082  }
0x22: {  	[simem:s7], [sflag:s8] =	dma.local @!p0 [hbm:s6], $0xF7A  }
0x23: {  	s9 =	sor.u32 $0xD0000000, s2;
	s6 =	simm.s32 $0x108;
	_ =	swait.ge @!p0 [sflag:s8], $0x0  }
0x24: {  	s3 =	sadd.s32 $0x88, s3;
	s6 =	simm.s32 @!p1 $0x1082;
	[sflag:s4] =	ssyncset.s32 $0xFFFFF086  }
0x25: {  	[simem:s6], [sflag:s4] =	dma.local [hbm:s3], $0xF7A  }
0x26: {  	[smem:$0x3F98] =	sst s1;
	(tag) =	ssettag s2;
	_ =	strace s9  }
0x27: {  	s1 =	sld [smem:$0x3FA8]  }
0x28: {  	s2 =	sld [smem:$0x3FA9]  }
0x29: {  	s4 =	sld [smem:$0x3FAB]  }
0x2a: {  	p0 =	seq.s32 s5, $0x0;
	s5 =	sld [smem:$0x3FAC]  }
0x2b: {  	s6 =	sld [smem:$0x3FAD]  }
0x2c: {  	s7 =	sld [smem:$0x3FAE]  }
0x2d: {  	s3 =	simm.s32 $0x108;
	s8 =	sld [smem:$0x3FAF]  }
0x2e: {  	s3 =	simm.s32 @!p0 $0x1082;
	s9 =	sld [smem:$0x3FB0]  }
0x2f: {  	lr =	sadd.s32 s0, s3;
	s0 =	sld [smem:$0x3FA7]  }
0x30: {  	s3 =	sld [smem:$0x3FAA]  }
0x31: {  	[smem:$0x3FB3] =	sst s10  }
0x32: {  	s10 =	sld [smem:$0x3FB1];
	_ =	sdelay $0x3  }
0x33: {  	p0 =	seq.s32 s10, $0x1;
	s10 =	sld [smem:$0x3FB3];
	_ =	sdelay $0x3  }
0x34: {  	[smem:$0x3FB3] =	sst s10  }
0x35: {  	s10 =	sld [smem:$0x3FB2];
	_ =	sdelay $0x3  }
0x36: {  	p1 =	seq.s32 s10, $0x1;
	s10 =	sld [smem:$0x3FB3];
	_ =	sdelay $0x3  }
0x37: {  	[smem:$0x3FB3] =	sst s10  }
0x38: {  	s10 =	sld [smem:$0x3FB4]  }
0x39: {  	_ = 	snop;
	(pc) =	sbr.ind lr, $3  }
0x3a: {  	_ = 	snop  }
0x3b: {  	_ = 	snop  }
0x3c: {  	p2 =	seq.s32 s10, $0x1;
	s10 =	sld [smem:$0x3FB3]  }
0x3d: {  	_ =	shalt  }
0x3e: {  	_ =	shalt  }
0x3f: {  	_ =	shalt  }
0x40: {  	_ =	shalt  }
0x41: {  	_ =	shalt  }
0x42: {  	_ =	shalt  }
0x43: {  	_ =	shalt  }
0x44: {  	_ =	shalt  }
0x45: {  	_ =	shalt  }
0x46: {  	_ =	shalt  }
0x47: {  	_ =	shalt  }
0x48: {  	_ =	shalt  }
0x49: {  	_ =	shalt  }
0x4a: {  	_ =	shalt  }
0x4b: {  	_ =	shalt  }
0x4c: {  	_ =	shalt  }
0x4d: {  	_ =	shalt  }
0x4e: {  	_ =	shalt  }
0x4f: {  	_ =	shalt  }
0x50: {  	_ =	shalt  }
0x51: {  	_ =	shalt  }
0x52: {  	_ =	shalt  }
0x53: {  	_ =	shalt  }
0x54: {  	_ =	shalt  }
0x55: {  	_ =	shalt  }
0x56: {  	_ =	shalt  }
0x57: {  	_ =	shalt  }
0x58: {  	_ =	shalt  }
0x59: {  	_ =	shalt  }
0x5a: {  	_ =	shalt  }
0x5b: {  	_ =	shalt  }
0x5c: {  	_ =	shalt  }
0x5d: {  	_ =	shalt  }
0x5e: {  	_ =	shalt  }
0x5f: {  	_ =	shalt  }
0x60: {  	_ =	shalt  }
0x61: {  	_ =	shalt  }
0x62: {  	_ =	shalt  }
0x63: {  	_ =	shalt  }
0x64: {  	_ =	shalt  }
0x65: {  	_ =	shalt  }
0x66: {  	_ =	shalt  }
0x67: {  	_ =	shalt  }
0x68: {  	_ =	shalt  }
0x69: {  	_ =	shalt  }
0x6a: {  	_ =	shalt  }
0x6b: {  	_ =	shalt  }
0x6c: {  	_ =	shalt  }
0x6d: {  	_ =	shalt  }
0x6e: {  	_ =	shalt  }
0x6f: {  	_ =	shalt  }
0x70: {  	_ =	shalt  }
0x71: {  	_ =	shalt  }
0x72: {  	_ =	shalt  }
0x73: {  	_ =	shalt  }
0x74: {  	_ =	shalt  }
0x75: {  	_ =	shalt  }
0x76: {  	_ =	shalt  }
0x77: {  	_ =	shalt  }
0x78: {  	_ =	shalt  }
0x79: {  	_ =	shalt  }
0x7a: {  	_ =	shalt  }
0x7b: {  	_ =	shalt  }
0x7c: {  	_ =	shalt  }
0x7d: {  	_ =	shalt  }
0x7e: {  	_ =	shalt  }
0x7f: {  	_ =	shalt  }
0x80: {  	_ =	shalt  }
0x81: {  	_ =	shalt  }
0x82: {  	_ =	shalt  }
0x83: {  	_ =	shalt  }
0x84: {  	_ =	shalt  }
0x85: {  	_ =	shalt  }
0x86: {  	_ =	shalt  }
0x87: {  	_ =	shalt  }
.Lfunc_end0:
.L_simem_size_0:
called_computation_lowered:
.L_overlay_start_0:
0x88: {  	s2 =	sld [smem:$0x3FD9]  }
0x89: {  	s3 =	sld [smem:$0x3FFE];
	_ =	sdelay $0x1  }
0x8a: {  	s1 =	srdreg.scid  }
0x8b: {  	s0 =	sand.u32 $0x1, s1  }
0x8c: {  	s17 =	sshll.u32 s0, $0xA;
	s2 =	sadd.s32 s3, s2  }
0x8d: {  	s2 =	sadd.s32 s2, s17  }
0x8e: {  	[smem:$0x3FBF] =	sst s2  }
0x8f: {  	_ = 	snop  }
0x90: {  	s2 =	sld [smem:$0x3FD0];
	(tm) =	ssettm $0x1  }
0x91: {  	s18 =	sld [smem:$0x3FFB];
	_ =	sdelay $0x3  }
0x92: {  	_ =	strace s18  }
0x93: {  	s3 =	sld [smem:$0x3FFC];
	_ =	sdelay $0x3  }
0x94: {  	_ =	strace s3  }
0x95: {  	s3 =	sld [smem:$0x3FFD];
	_ =	sdelay $0x3  }
0x96: {  	_ =	strace s3  }
0x97: {  	_ =	strace $0x8FFFFFFF  }
0x98: {  	s19 =	sld [smem:$0x3FDB];
	_ =	sdelay $0x1  }
0x99: {  	s4 =	simm.s32 $_scs_section_size  }
0x9a: {  	s5 =	simm.s32 $_size__tile_overlayer_lowered;
	s6 =	simm.s32 $_tile_overlayer_lowered  }
0x9b: {  	s22 =	simm.s32 $0x1BFF;
	s21 =	sshll.u32 s6, $0x1;
	s3 =	sadd.s32 s4, s19  }
0x9c: {  	s7 =	simm.s32 $0x0;
	s20 =	sshll.u32 s5, $0x1;
	s5 =	sadd.s32 s21, s3  }
0x9d: {  	[timem:s7], [sflag:s22] =	dma.local [hbm:s5], s20  }
0x9e: {  	_ =	swait.ge [sflag:s22], s20  }
0x9f: {  	s4 =	ssub.s32 $0x0, s20;
	[sflag:s22] =	ssyncset.done $0x0  }
0xa0: {  	[sflag:s22] =	ssyncadd.s32 s4;
	_ =	sdelay $0x1  }
0xa1: {  	s23 =	simm.s32 $0x1B8B  }
0xa2: {  	_ =	swait.ge [sflag:s23], $0x1  }
0xa3: {  	[sflag:s23] =	ssyncset.done $0x0  }
0xa4: {  	s25 =	simm.s32 $0x1B8E;
	s24 =	sld [smem:$0x3FFE];
	[sflag:s23] =	ssyncadd.s32 $0xFFFFFFFF  }
0xa5: {  	s26 =	simm.s32 $execute0_lowered;
	[smem:$0x3FD2] =	sst s25  }
0xa6: {  	s5 =	sshll.u32 s26, $0x1;
	_ =	strace $0x80000046;
	[dreg:$0x1] =	wrdreg $0xFFFFFFFF  }
0xa7: {  	s28 =	simm.s32 $_size_execute0_lowered;
	s3 =	sadd.s32 s3, s5;
	[dreg:$0x0] =	wrdreg $0x0  }
0xa8: {  	s5 =	sshll.u32 s28, $0x1;
	[dreg:$0x2] =	wrdreg s3  }
0xa9: {  	[dreg:$0x3] =	wrdreg s5  }
0xaa: {  	[dreg:$0x4] =	wrdreg $0xC0  }
0xab: {  	_ =	task [dreg:s7], $0x5FFFF  }
0xac: {  	[dreg:$0x1] =	wrdreg $0xFFFFFFFF  }
0xad: {  	[dreg:$0x0] =	wrdreg $0x60  }
0xae: {  	[dreg:$0x2] =	wrdreg s24  }
0xaf: {  	[dreg:$0x3] =	wrdreg s2  }
0xb0: {  	[dreg:$0x4] =	wrdreg $0x9  }
0xb1: {  	_ =	task.clear_ibuf [dreg:s7], $0x5FFFF;
	_ =	strace $0x90000046  }
0xb2: {  	s29 =	simm.s32 $0x9;
	_ =	strace $0x80000048  }
0xb3: {  	_ =	swait.ge [sflag:s29], $0x1  }
0xb4: {  	[sflag:s29] =	ssyncadd.s32 $0xFFFFFFFF  }
0xb5: {  	_ =	strace $0x90000048  }
0xb6: {  	_ =	sfence  }
0xb7: {  	s30 =	sld [smem:$0x0];
	_ =	sdelay $0x2  }
0xb8: {  	s31 =	sshll.u32 s1, $0xD;
	s1 =	sshrl.u32 s1, $0x2  }
0xb9: {  	s3 =	sand.u32 $0x4000, s31;
	s1 =	sadd.s32 s1, s30  }
0xba: {  	s0 =	sor.u32 s3, s0;
	s1 =	sshll.u32 s1, $0x11  }
0xbb: {  	s0 =	sor.u32 s1, s0  }
0xbc: {  	s0 =	sadd.s32 $0x8F2B, s0  }
0xbd: {  	[sflag:s0] =	ssyncadd.remote.s32 $0x1  }
0xbe: {  	_ =	sfence.sel $0xFFFF  }
0xbf: {  	[dreg:$0x0] =	wrdreg $0xFFFFFFFF;
	(pc) =	sbr.abs _section_cstart, $3  }
0xc0: {  	[dreg:$0x1] =	wrdreg $0xFFFFFFFF  }
0xc1: {  	_ =	task.clear_ibuf [dreg:s7], $0x2FFFF;
	_ =	strace $0x9FFFFFFF  }
0xc2: {  	(tm) =	ssettm $0x7FFFFFFF  }
0xc3: {  	_ =	shalt  }
tec
execute0_lowered:
.L_overlay_start_1:
0x0: {  	(tag) =	ssettag $0x1  }
0x1: {  	s0 =	srdreg.scid  }
0x2: {  	s2 =	stileid.u32;
	s6 =	rddreg [dreg:$0x0]  }
0x3: {  	s3 =	simm.s32 $0x0;
	s13 =	simm.s32 $0xED80;
	s14 =	simm.s32 $0xC600  }
0x4: {  	s16 =	simm.s32 $0xF000;
	s18 =	simm.s32 $0xF280;
	s20 =	simm.s32 $0xF500  }
0x5: {  	v0 =	vimm.s32 $0x1181;
	vm0 =	vcmask $0x300;
	s28 =	simm.s32 $0xFC80;
	s29 =	simm.s32 $0xFF00;
	s30 =	simm.s32 $0x0  }
0x6: {  	vm14 =	vcmask $0x704;
	s1 =	sand.u32 $0x1, s0;
	s24 =	sshll.u32 s2, $0x1;
	[smem:$0x7FF] =	sst s3;
	v0 =	vsel vm0, $0x0, v0  }
0x7: {  	vm15 =	vcmask $0xB08;
	s12 =	sadd.s32 $0x7A20, s6;
	s15 =	sadd.s32 $0x17200, s6;
	s17 =	sadd.s32 $0x17C00, s6;
	v0 =	vsel vm14, $0x280, v0  }
0x8: {  	vm4 =	vcmask $0xF0C;
	s19 =	sadd.s32 $0x18600, s6;
	s21 =	sadd.s32 $0x19000, s6;
	s9 =	sor.u32 s1, s24;
	v0 =	vsel vm15, $0x500, v0  }
0x9: {  	vm5 =	vcmask $0x1310;
	s22 =	sadd.s32 $0x19A00, s6;
	s23 =	sadd.s32 $0x1A400, s6;
	s4 =	smul.u32 $0x1400, s9;
	v0 =	vsel vm4, $0x780, v0  }
0xa: {  	vm6 =	vcmask $0x1714;
	_ =	strace $0x80000047;
	s1 =	ssub.s32 $0x2, s1;
	s26 =	smul.u32 $0x50, s9;
	v0 =	vsel vm5, $0xA00, v0  }
0xb: {  	vm7 =	vcmask $0x1B18;
	s24 =	sadd.s32 $0x1AE00, s6;
	s7 =	smul.u32 $0x4E2, s9;
	s31 =	sshrl.u32 s1, $0x1;
	v0 =	vsel vm6, $0xC80, v0  }
0xc: {  	vm8 =	vcmask $0x1F1C;
	p0 =	sne.s32 s9, $0x1F;
	s9 =	simm.s32 $0x1;
	s1 =	ssub.s32 s1, s31;
	v0 =	vsel vm7, $0xF00, v0  }
0xd: {  	vm9 =	vcmask $0x2320;
	s25 =	smin.u32 s4, $0x25D00;
	s8 =	sadd.s32 s26, s6;
	s4 =	sshrl.u32 s4, $0x3;
	v0 =	vsel vm8, $0x1180, v0  }
0xe: {  	vm10 =	vcmask $0x2724;
	s7 =	sadd.s32 s7, s6;
	s15 =	sadd.s32 s26, s15;
	s17 =	sadd.s32 s26, s17;
	v0 =	vsel vm9, $0x1, v0  }
0xf: {  	vm11 =	vcmask $0x2B28;
	s19 =	sadd.s32 s26, s19;
	s21 =	sadd.s32 s26, s21;
	s22 =	sadd.s32 s26, s22;
	v0 =	vsel vm10, $0x281, v0  }
0x10: {  	vm12 =	vcmask $0x2F2C;
	s23 =	sadd.s32 s26, s23;
	s24 =	sadd.s32 s26, s24;
	s26 =	simm.s32 $0xFA00;
	v1 =	vsel vm11, $0x501, v0  }
0x11: {  	vm13 =	vcmask $0x3330;
	v3 =	vlaneseq.u32;
	s10 =	sshrl.u32 s25, $0x3;
	s11 =	sadd.s32 s4, s6;
	s25 =	simm.s32 $0xF780;
	v2 =	vsel vm12, $0x781, v1  }
0x12: {  	v4 =	vimm.f32 $1.000000000e+00;
	vm14 =	vcmask $0x3734;
	s5 =	sadd.s32 s10, s6;
	s6 =	sadd.s32 $0xCA00, s7;
	s7 =	sadd.s32 $0x1B800, s11;
	v2 =	vsel vm13, $0xA01, v2  }
0x13: {  	v3 =	vshrl.u32 v3, $0x3;
	vm15 =	vcmask $0x3B38;
	s10 =	sadd.s32 s10, s12;
	s11 =	simm.s32 $0x1400;
	s12 =	simm.s32 $0x2800;
	v2 =	vsel vm14, $0xC81, v2  }
0x14: {  	s4 =	sadd.s32 $0x2C00, s5;
	s5 =	sadd.s32 $0x16800, s8;
	s8 =	smax.u32 s1, $0x1;
	v0 =	vimm.s32 $0x2710;
	v1 =	vimm.f32 $0.0e+00;
	v2 =	vsel vm15, $0xF01, v2  }
.LBB2_1:
0x15: {  	[tilespmem:s3], [sflag:$0x1] =	stream.linear.gather [hbm4b:s4+s3], $0x1400, $0x38;
	[tilespmem:$0x10180] =	vst v63  }
0x16: {  	_ =	swait.ge [sflag:s9], $0x1400  }
0x17: {  	[sflag:s9] =	ssyncset.done $0x0  }
0x18: {  	[sflag:s9] =	ssyncadd.s32 $0xFFFFEC00  }
0x19: {  	[tilespmem:s11], [sflag:$0x1] =	stream.linear.gather [hbm4b:s10+s3], $0x1400, $0x38;
	[tilespmem:$0x10180] =	vst v63  }
0x1a: {  	_ =	swait.ge [sflag:s9], $0x1400  }
0x1b: {  	[sflag:s9] =	ssyncset.done $0x0  }
0x1c: {  	[sflag:s9] =	ssyncadd.s32 $0xFFFFEC00  }
.Ltmp0:
0x1d: {  	s0 =	rddreg [dreg:$0x1];
	(pc) =	sbr.rel @p0 .LBB2_5-.Ltmp0, $4  }
0x1e: {  	[tilespmem:s12], [sflag:$0x1] =	stream.linear.gather [hbm4b:s0+s3], $0x9E00, $0x38;
	[tilespmem:$0x10180] =	vst v63  }
0x1f: {  	_ =	swait.ge [sflag:s9], $0x9E00  }
0x20: {  	[sflag:s9] =	ssyncset.done $0x0  }
0x21: {  	[sflag:s9] =	ssyncadd.s32 $0xFFFF6200  }
0x22: {  	s0 =	simm.s32 $0x40;
	s1 =	simm.s32 $0x0  }
.LBB2_3:
0x23: {  	p1 =	sne.s32 s0, $0x3BC0;
	[tilespmem:s1+$0x0] =	vst v0;
	s31 =	smov.u32 s0;
	s0 =	sadd.s32 $0x40, s0  }
.Ltmp1:
0x24: {  	[tilespmem:s1+$0x1400] =	vst v0;
	(pc) =	sbr.rel @p1 .LBB2_3-.Ltmp1, $2  }
0x25: {  	_ =	sdelay $0x2  }
0x26: {  	s1 =	sshra.s32 s31, $0x2  }
0x27: {  	[tilespmem:s1+$0x0] =	vst v0  }
0x28: {  	[tilespmem:s1+$0x1400] =	vst v0  }
.LBB2_5:
0x29: {  	s0 =	simm.s32 $0x0  }
.LBB2_6:
0x2a: {  	p1 =	sne.s32 s0, $0x9DC0  }
.Ltmp2:
0x2b: {  	_ = 	snop;
	(pc) =	sbr.rel @p1 .LBB2_6-.Ltmp2, $3  }
0x2c: {  	_ =	sdelay $0x1  }
0x2d: {  	s1 =	sshra.s32 s0, $0x2  }
0x2e: {  	s0 =	sadd.s32 $0x40, s0;
	[tilespmem:s1+$0xC600] =	vst v1  }
0x2f: {  	s31 =	simm.s32 $0x6;
	s1 =	simm.s32 $0x20;
	s0 =	simm.s32 $0x1420  }
.LBB2_8:
0x30: {  	v5 =	vld [tilespmem:s1+$0xFFFFFFE0]  }
0x31: {  	v6 =	vld [tilespmem:s0+$0xFFFFFFE0];
	_ =	sdelay $0x3  }
0x32: {  	v5 =	vshll.u32 v5, $0x2  }
0x33: {  	v6 =	vshll.u32 v6, $0x2  }
0x34: {  	v7 =	vor.u32 $0x1, v5  }
0x35: {  	v8 =	vor.u32 $0x1, v6  }
0x36: {  	v9 =	vor.u32 $0x2, v5  }
0x37: {  	v10 =	vor.u32 $0x2, v6;
	v5 =	vld.idx.msk [tilespmem:v5+s12+$0x0], $0xffff  }
0x38: {  	v6 =	vld.idx.msk [tilespmem:v6+s12+$0x0], $0xffff  }
0x39: {  	v7 =	vld.idx.msk [tilespmem:v7+s12+$0x0], $0xffff  }
0x3a: {  	v8 =	vld.idx.msk [tilespmem:v8+s12+$0x0], $0xffff  }
0x3b: {  	v9 =	vld.idx.msk [tilespmem:v9+s12+$0x0], $0xffff  }
0x3c: {  	v10 =	vld.idx.msk [tilespmem:v10+s12+$0x0], $0xffff;
	_ =	sdelay $0x3  }
0x3d: {  	s2 =	sadd.s32 $0xFFFFFFFA, s31;
	v5 =	vsub.f32 v5, v6;
	v6 =	vsub.f32 v7, v8  }
0x3e: {  	v51 =	vadd.s32 s2, v2;
	v7 =	vsub.f32 v9, v10  }
0x3f: {  	v8 =	vand.u32 $0x3FF8, v51;
	v5 =	vmul.f32 v5, v5;
	v6 =	vmul.f32 v6, v6  }
0x40: {  	v8 =	vor.u32 v3, v8  }
0x41: {  	v5 =	vadd.f32 v6, v5;
	v6 =	vmul.f32 v7, v7;
	_ =	sdelay $0x1  }
0x42: {  	v5 =	vadd.f32 v6, v5;
	_ =	sdelay $0x1  }
0x43: {  	[tilespmem:v8+s13+$0x0] =	vst.idx.msk $0xffff, v5  }
0x44: {  	v5 =	vld [tilespmem:s0+$0xFFFFFFE0];
	_ =	sdelay $0x7  }
0x45: {  	[tilespmem:v5+s14+$0x0] =	vst.idx.add.f32.msk $0xffff, v4  }
0x46: {  	v5 =	vld [tilespmem:s1+$0xFFFFFFF0]  }
0x47: {  	v6 =	vld [tilespmem:s0+$0xFFFFFFF0];
	_ =	sdelay $0x3  }
0x48: {  	v5 =	vshll.u32 v5, $0x2  }
0x49: {  	v6 =	vshll.u32 v6, $0x2  }
0x4a: {  	v7 =	vor.u32 $0x1, v5  }
0x4b: {  	v52 =	vor.u32 $0x1, v6  }
0x4c: {  	v53 =	vor.u32 $0x2, v5  }
0x4d: {  	v54 =	vor.u32 $0x2, v6;
	v5 =	vld.idx.msk [tilespmem:v5+s12+$0x0], $0xffff  }
0x4e: {  	v6 =	vld.idx.msk [tilespmem:v6+s12+$0x0], $0xffff  }
0x4f: {  	v7 =	vld.idx.msk [tilespmem:v7+s12+$0x0], $0xffff  }
0x50: {  	v8 =	vld.idx.msk [tilespmem:v52+s12+$0x0], $0xffff  }
0x51: {  	v9 =	vld.idx.msk [tilespmem:v53+s12+$0x0], $0xffff  }
0x52: {  	v10 =	vld.idx.msk [tilespmem:v54+s12+$0x0], $0xffff;
	_ =	sdelay $0x2  }
0x53: {  	v5 =	vsub.f32 v5, v6;
	v6 =	vsub.f32 v7, v8;
	_ =	sdelay $0x1  }
0x54: {  	s2 =	sadd.s32 $0xFFFFFFFC, s31;
	v7 =	vsub.f32 v9, v10;
	v5 =	vmul.f32 v5, v5;
	v6 =	vmul.f32 v6, v6  }
0x55: {  	v55 =	vadd.s32 s2, v2  }
0x56: {  	v5 =	vadd.f32 v6, v5;
	v6 =	vmul.f32 v7, v7;
	_ =	sdelay $0x1  }
0x57: {  	v5 =	vadd.f32 v6, v5;
	_ =	sdelay $0x1  }
0x58: {  	[tilespmem:v55+s13+$0x0] =	vst.idx.msk $0xffff, v5  }
0x59: {  	v5 =	vld [tilespmem:s0+$0xFFFFFFF0];
	_ =	sdelay $0x7  }
0x5a: {  	[tilespmem:v5+s14+$0x0] =	vst.idx.add.f32.msk $0xffff, v4  }
0x5b: {  	v5 =	vld [tilespmem:s1+$0x0]  }
0x5c: {  	v6 =	vld [tilespmem:s0+$0x0];
	_ =	sdelay $0x3  }
0x5d: {  	v5 =	vshll.u32 v5, $0x2  }
0x5e: {  	v6 =	vshll.u32 v6, $0x2  }
0x5f: {  	v7 =	vor.u32 $0x1, v5  }
0x60: {  	v56 =	vor.u32 $0x1, v6  }
0x61: {  	v57 =	vor.u32 $0x2, v5  }
0x62: {  	v58 =	vor.u32 $0x2, v6;
	v5 =	vld.idx.msk [tilespmem:v5+s12+$0x0], $0xffff  }
0x63: {  	v6 =	vld.idx.msk [tilespmem:v6+s12+$0x0], $0xffff  }
0x64: {  	v7 =	vld.idx.msk [tilespmem:v7+s12+$0x0], $0xffff  }
0x65: {  	v8 =	vld.idx.msk [tilespmem:v56+s12+$0x0], $0xffff  }
0x66: {  	v9 =	vld.idx.msk [tilespmem:v57+s12+$0x0], $0xffff  }
0x67: {  	v10 =	vld.idx.msk [tilespmem:v58+s12+$0x0], $0xffff;
	_ =	sdelay $0x2  }
0x68: {  	v5 =	vsub.f32 v5, v6;
	v6 =	vsub.f32 v7, v8;
	_ =	sdelay $0x1  }
0x69: {  	s2 =	sadd.s32 $0xFFFFFFFE, s31;
	v7 =	vsub.f32 v9, v10;
	v5 =	vmul.f32 v5, v5;
	v6 =	vmul.f32 v6, v6  }
0x6a: {  	v59 =	vadd.s32 s2, v2  }
0x6b: {  	v5 =	vadd.f32 v6, v5;
	v6 =	vmul.f32 v7, v7;
	_ =	sdelay $0x1  }
0x6c: {  	v5 =	vadd.f32 v6, v5;
	_ =	sdelay $0x1  }
0x6d: {  	[tilespmem:v59+s13+$0x0] =	vst.idx.msk $0xffff, v5  }
0x6e: {  	v5 =	vld [tilespmem:s0+$0x0];
	_ =	sdelay $0x7  }
0x6f: {  	[tilespmem:v5+s14+$0x0] =	vst.idx.add.f32.msk $0xffff, v4  }
0x70: {  	v5 =	vld [tilespmem:s1+$0x10]  }
0x71: {  	v6 =	vld [tilespmem:s0+$0x10];
	_ =	sdelay $0x3  }
0x72: {  	v5 =	vshll.u32 v5, $0x2  }
0x73: {  	v6 =	vshll.u32 v6, $0x2  }
0x74: {  	v7 =	vor.u32 $0x1, v5  }
0x75: {  	v60 =	vor.u32 $0x1, v6  }
0x76: {  	v61 =	vor.u32 $0x2, v5  }
0x77: {  	v62 =	vor.u32 $0x2, v6;
	v5 =	vld.idx.msk [tilespmem:v5+s12+$0x0], $0xffff  }
0x78: {  	v6 =	vld.idx.msk [tilespmem:v6+s12+$0x0], $0xffff  }
0x79: {  	v7 =	vld.idx.msk [tilespmem:v7+s12+$0x0], $0xffff  }
0x7a: {  	v8 =	vld.idx.msk [tilespmem:v60+s12+$0x0], $0xffff  }
0x7b: {  	v9 =	vld.idx.msk [tilespmem:v61+s12+$0x0], $0xffff  }
0x7c: {  	v10 =	vld.idx.msk [tilespmem:v62+s12+$0x0], $0xffff;
	_ =	sdelay $0x2  }
0x7d: {  	v5 =	vsub.f32 v5, v6;
	v6 =	vsub.f32 v7, v8;
	_ =	sdelay $0x1  }
0x7e: {  	v7 =	vsub.f32 v9, v10;
	v5 =	vmul.f32 v5, v5;
	v6 =	vmul.f32 v6, v6  }
0x7f: {  	v63 =	vadd.s32 s31, v2  }
0x80: {  	v5 =	vadd.f32 v6, v5;
	v6 =	vmul.f32 v7, v7;
	_ =	sdelay $0x1  }
0x81: {  	v5 =	vadd.f32 v6, v5;
	_ =	sdelay $0x1  }
0x82: {  	[tilespmem:v63+s13+$0x0] =	vst.idx.msk $0xffff, v5  }
0x83: {  	v5 =	vld [tilespmem:s0+$0x10];
	_ =	sdelay $0x2  }
0x84: {  	p1 =	sne.s32 s31, $0x27E  }
.Ltmp3:
0x85: {  	_ = 	snop;
	(pc) =	sbr.rel @p1 .LBB2_8-.Ltmp3, $2  }
0x86: {  	_ =	sdelay $0x2  }
0x87: {  	s31 =	sadd.s32 $0x8, s31;
	s1 =	sadd.s32 $0x40, s1;
	s0 =	sadd.s32 $0x40, s0;
	[tilespmem:v5+s14+$0x0] =	vst.idx.add.f32.msk $0xffff, v4  }
0x88: {  	[hbm4b:s5+s3] =	stream.linear.scatter [tilespmem:s13], [sflag:$0x1], $0x280, $0x38;
	[tilespmem:$0x10180] =	vst v63  }
0x89: {  	_ =	swait.ge [sflag:s9], $0x280  }
0x8a: {  	[sflag:s9] =	ssyncset.done $0x0  }
0x8b: {  	[sflag:s9] =	ssyncadd.s32 $0xFFFFFD80  }
0x8c: {  	[hbm4b:s15+s3] =	stream.linear.scatter [tilespmem:s16], [sflag:$0x1], $0x280, $0x38;
	[tilespmem:$0x10180] =	vst v63  }
0x8d: {  	_ =	swait.ge [sflag:s9], $0x280  }
0x8e: {  	[sflag:s9] =	ssyncset.done $0x0  }
0x8f: {  	[sflag:s9] =	ssyncadd.s32 $0xFFFFFD80  }
0x90: {  	[hbm4b:s17+s3] =	stream.linear.scatter [tilespmem:s18], [sflag:$0x1], $0x280, $0x38;
	[tilespmem:$0x10180] =	vst v63  }
0x91: {  	_ =	swait.ge [sflag:s9], $0x280  }
0x92: {  	[sflag:s9] =	ssyncset.done $0x0  }
0x93: {  	[sflag:s9] =	ssyncadd.s32 $0xFFFFFD80  }
0x94: {  	[hbm4b:s19+s3] =	stream.linear.scatter [tilespmem:s20], [sflag:$0x1], $0x280, $0x38;
	[tilespmem:$0x10180] =	vst v63  }
0x95: {  	_ =	swait.ge [sflag:s9], $0x280  }
0x96: {  	[sflag:s9] =	ssyncset.done $0x0  }
0x97: {  	[sflag:s9] =	ssyncadd.s32 $0xFFFFFD80  }
0x98: {  	[hbm4b:s21+s3] =	stream.linear.scatter [tilespmem:s25], [sflag:$0x1], $0x280, $0x38;
	[tilespmem:$0x10180] =	vst v63  }
0x99: {  	_ =	swait.ge [sflag:s9], $0x280  }
0x9a: {  	[sflag:s9] =	ssyncset.done $0x0  }
0x9b: {  	[sflag:s9] =	ssyncadd.s32 $0xFFFFFD80  }
0x9c: {  	[hbm4b:s22+s3] =	stream.linear.scatter [tilespmem:s26], [sflag:$0x1], $0x280, $0x38;
	[tilespmem:$0x10180] =	vst v63  }
0x9d: {  	_ =	swait.ge [sflag:s9], $0x280  }
0x9e: {  	[sflag:s9] =	ssyncset.done $0x0  }
0x9f: {  	[sflag:s9] =	ssyncadd.s32 $0xFFFFFD80  }
0xa0: {  	[hbm4b:s23+s3] =	stream.linear.scatter [tilespmem:s28], [sflag:$0x1], $0x280, $0x38;
	[tilespmem:$0x10180] =	vst v63  }
0xa1: {  	_ =	swait.ge [sflag:s9], $0x280  }
0xa2: {  	[sflag:s9] =	ssyncset.done $0x0  }
0xa3: {  	[sflag:s9] =	ssyncadd.s32 $0xFFFFFD80  }
0xa4: {  	[hbm4b:s24+s3] =	stream.linear.scatter [tilespmem:s29], [sflag:$0x1], $0x280, $0x38;
	[tilespmem:$0x10180] =	vst v63  }
0xa5: {  	_ =	swait.ge [sflag:s9], $0x280  }
0xa6: {  	[sflag:s9] =	ssyncset.done $0x0  }
0xa7: {  	[sflag:s9] =	ssyncadd.s32 $0xFFFFFD80  }
0xa8: {  	[hbm4b:s6+s3] =	stream.linear.scatter [tilespmem:s14], [sflag:$0x1], $0x2710, $0x38;
	[tilespmem:$0x10180] =	vst v63  }
0xa9: {  	s30 =	sadd.s32 $0x1, s30;
	_ =	swait.ge [sflag:s9], $0x2710  }
0xaa: {  	p1 =	sne.s32 s30, s8;
	[sflag:s9] =	ssyncset.done $0x0  }
.Ltmp4:
0xab: {  	[sflag:s9] =	ssyncadd.s32 $0xFFFFD8F0;
	(pc) =	sbr.rel @p1 .LBB2_1-.Ltmp4, $4  }
0xac: {  	[hbm4b:s7+s3] =	stream.linear.scatter [tilespmem:s3], [sflag:$0x1], $0x1400, $0x38;
	[tilespmem:$0x10180] =	vst v63  }
0xad: {  	_ =	swait.ge [sflag:s9], $0x1400  }
0xae: {  	[sflag:s9] =	ssyncset.done $0x0  }
0xaf: {  	[sflag:s9] =	ssyncadd.s32 $0xFFFFEC00  }
0xb0: {  	_ =	sfence.sel $0x180000  }
0xb1: {  	[bflag:$0x0] =	sbarrier.arrive $0xFFFF  }
0xb2: {  	_ =	strace $0x90000047  }
0xb3: {  	s0 =	stileid.u32;
	[bflag:$0x2] =	sbarrier.arrive $0xFFFF  }
0xb4: {  	p0 =	sne.s32 s0, $0x0;
	s0 =	rddreg [dreg:$0x2]  }
0xb5: {  	s0 =	sadd.s32 @!p0 $0x100000, s0  }
0xb6: {  	[sflag:s0] =	ssyncadd.tile.s32 @!p0 $0x1;
	_ =	shalt  }
.Lfunc_end2:
_tile_overlayer_lowered:
.L_overlay_start_2:
0xb7: {  	(tag) =	ssettag $0x2  }
0xb8: {  	s0 =	rddreg [dreg:$0x0];
	s2 =	stileid.u32  }
0xb9: {  	s1 =	rddreg [dreg:$0x1];
	p0 =	sne.s32 s2, $0x0  }
0xba: {  	s3 =	rddreg [dreg:$0x2];
	[bflag:$0x3] =	sbarrier.arrive $0xFFFF;
	s2 =	simm.s32 @!p0 $0x1C01  }
0xbb: {  	[timem:s3], [sflag:s2] =	dma.local @!p0 [hbm:s0], s1  }
0xbc: {  	s0 =	simm.s32 @!p0 $0x1  }
0xbd: {  	_ =	swait.ge @!p0 [sflag:s0], s1  }
0xbe: {  	s1 =	ssub.s32 @!p0 $0x0, s1;
	[sflag:s0] =	ssyncset.done @!p0 $0x0  }
0xbf: {  	[sflag:s0] =	ssyncadd.s32 @!p0 s1  }
0xc0: {  	[bflag:$0x3] =	sbarrier.arrive $0xFFFF  }
0xc1: {  	_ =	shalt  }

// kernel: kernel.9.cloned.1.call-start
scs
__scs_entry_jumppad:
0x0: {  	(pc) =	sbr.rel $0x88, $3  }
0x1: {  	(tag) =	ssettag $0x0;
	lr =	simm.s32 $0x1  }
0x2: {  	[smem:$0x3F98] =	sst lr;
	_ =	strace $0xD0000000  }
0x3: {  	_ = 	snop  }
0x4: {  	_ = 	snop  }
0x5: {  	_ = 	snop  }
0x6: {  	_ = 	snop  }
0x7: {  	_ = 	snop  }
__scs_overlays_trampoline_lowered:
0x8: {  	[smem:$0x3FA7] =	sst s0  }
0x9: {  	[smem:$0x3FA8] =	sst s1  }
0xa: {  	[smem:$0x3FA9] =	sst s2  }
0xb: {  	[smem:$0x3FAA] =	sst s3  }
0xc: {  	[smem:$0x3FAB] =	sst s4  }
0xd: {  	[smem:$0x3FAC] =	sst s5  }
0xe: {  	[smem:$0x3FAD] =	sst s6  }
0xf: {  	[smem:$0x3FAE] =	sst s7  }
0x10: {  	[smem:$0x3FAF] =	sst s8  }
0x11: {  	[smem:$0x3FB0] =	sst s9;
	s0 =	simm.s32 @!p0 $0x0  }
0x12: {  	s1 =	sld [smem:$0x3F96];
	s0 =	simm.s32 @p0 $0x1  }
0x13: {  	[smem:$0x3FB1] =	sst s0;
	s0 =	simm.s32 @!p1 $0x0  }
0x14: {  	s2 =	sld [smem:$0x3F95];
	s0 =	simm.s32 @p1 $0x1  }
0x15: {  	[smem:$0x3FB2] =	sst s0;
	s0 =	simm.s32 @!p2 $0x0  }
0x16: {  	s3 =	sld [smem:$0x3FDB];
	s0 =	simm.s32 @p2 $0x1  }
0x17: {  	s4 =	simm.s32 $0x1BF5;
	[smem:$0x3FB4] =	sst s0  }
0x18: {  	s0 =	sld [smem:$0x3F97];
	_ =	swait.ge [sflag:s4], $0x0  }
0x19: {  	s7 =	sld [smem:$0x3F98]  }
0x1a: {  	s8 =	sadd.s32 $0xFFFFE003, lr  }
0x1b: {  	s9 =	sadd.s32 $0xFFFFFEF7, lr;
	s5 =	simm.s32 $0xFFFFFFFF;
	p2 =	slt.u32 s8, $0xFFFFF086  }
0x1c: {  	p1 =	slt.u32 s9, $0xF7A;
	s5 =	simm.s32 @!p2 $0x0  }
0x1d: {  	s5 =	simm.s32 @p1 $0x1;
	p0 =	seq.s32 s7, s2  }
0x1e: {  	s7 =	smul.u32 @!p0 $0xF7A, s2;
	p2 =	seq.s32 @!p0 s5, $0x0  }
0x1f: {  	s9 =	smul.u32 $0xF7A, s1;
	s8 =	simm.s32 @!p0 $0x1BF5;
	p2 =	por !p2, p0  }
0x20: {  	[sflag:s8] =	ssyncset.s32 @!p0 $0xFFFFF086;
	s6 =	sadd.s32 @!p0 s3, s7;
	s7 =	simm.s32 @!p0 $0x108  }
0x21: {  	s3 =	sadd.s32 s3, s9;
	s6 =	sadd.s32 @!p0 $0x88, s6;
	s7 =	simm.s32 @p2 $0x1082  }
0x22: {  	[simem:s7], [sflag:s8] =	dma.local @!p0 [hbm:s6], $0xF7A  }
0x23: {  	s9 =	sor.u32 $0xD0000000, s2;
	s6 =	simm.s32 $0x108;
	_ =	swait.ge @!p0 [sflag:s8], $0x0  }
0x24: {  	s3 =	sadd.s32 $0x88, s3;
	s6 =	simm.s32 @!p1 $0x1082;
	[sflag:s4] =	ssyncset.s32 $0xFFFFF086  }
0x25: {  	[simem:s6], [sflag:s4] =	dma.local [hbm:s3], $0xF7A  }
0x26: {  	[smem:$0x3F98] =	sst s1;
	(tag) =	ssettag s2;
	_ =	strace s9  }
0x27: {  	s1 =	sld [smem:$0x3FA8]  }
0x28: {  	s2 =	sld [smem:$0x3FA9]  }
0x29: {  	s4 =	sld [smem:$0x3FAB]  }
0x2a: {  	p0 =	seq.s32 s5, $0x0;
	s5 =	sld [smem:$0x3FAC]  }
0x2b: {  	s6 =	sld [smem:$0x3FAD]  }
0x2c: {  	s7 =	sld [smem:$0x3FAE]  }
0x2d: {  	s3 =	simm.s32 $0x108;
	s8 =	sld [smem:$0x3FAF]  }
0x2e: {  	s3 =	simm.s32 @!p0 $0x1082;
	s9 =	sld [smem:$0x3FB0]  }
0x2f: {  	lr =	sadd.s32 s0, s3;
	s0 =	sld [smem:$0x3FA7]  }
0x30: {  	s3 =	sld [smem:$0x3FAA]  }
0x31: {  	[smem:$0x3FB3] =	sst s10  }
0x32: {  	s10 =	sld [smem:$0x3FB1];
	_ =	sdelay $0x3  }
0x33: {  	p0 =	seq.s32 s10, $0x1;
	s10 =	sld [smem:$0x3FB3];
	_ =	sdelay $0x3  }
0x34: {  	[smem:$0x3FB3] =	sst s10  }
0x35: {  	s10 =	sld [smem:$0x3FB2];
	_ =	sdelay $0x3  }
0x36: {  	p1 =	seq.s32 s10, $0x1;
	s10 =	sld [smem:$0x3FB3];
	_ =	sdelay $0x3  }
0x37: {  	[smem:$0x3FB3] =	sst s10  }
0x38: {  	s10 =	sld [smem:$0x3FB4]  }
0x39: {  	_ = 	snop;
	(pc) =	sbr.ind lr, $3  }
0x3a: {  	_ = 	snop  }
0x3b: {  	_ = 	snop  }
0x3c: {  	p2 =	seq.s32 s10, $0x1;
	s10 =	sld [smem:$0x3FB3]  }
0x3d: {  	_ =	shalt  }
0x3e: {  	_ =	shalt  }
0x3f: {  	_ =	shalt  }
0x40: {  	_ =	shalt  }
0x41: {  	_ =	shalt  }
0x42: {  	_ =	shalt  }
0x43: {  	_ =	shalt  }
0x44: {  	_ =	shalt  }
0x45: {  	_ =	shalt  }
0x46: {  	_ =	shalt  }
0x47: {  	_ =	shalt  }
0x48: {  	_ =	shalt  }
0x49: {  	_ =	shalt  }
0x4a: {  	_ =	shalt  }
0x4b: {  	_ =	shalt  }
0x4c: {  	_ =	shalt  }
0x4d: {  	_ =	shalt  }
0x4e: {  	_ =	shalt  }
0x4f: {  	_ =	shalt  }
0x50: {  	_ =	shalt  }
0x51: {  	_ =	shalt  }
0x52: {  	_ =	shalt  }
0x53: {  	_ =	shalt  }
0x54: {  	_ =	shalt  }
0x55: {  	_ =	shalt  }
0x56: {  	_ =	shalt  }
0x57: {  	_ =	shalt  }
0x58: {  	_ =	shalt  }
0x59: {  	_ =	shalt  }
0x5a: {  	_ =	shalt  }
0x5b: {  	_ =	shalt  }
0x5c: {  	_ =	shalt  }
0x5d: {  	_ =	shalt  }
0x5e: {  	_ =	shalt  }
0x5f: {  	_ =	shalt  }
0x60: {  	_ =	shalt  }
0x61: {  	_ =	shalt  }
0x62: {  	_ =	shalt  }
0x63: {  	_ =	shalt  }
0x64: {  	_ =	shalt  }
0x65: {  	_ =	shalt  }
0x66: {  	_ =	shalt  }
0x67: {  	_ =	shalt  }
0x68: {  	_ =	shalt  }
0x69: {  	_ =	shalt  }
0x6a: {  	_ =	shalt  }
0x6b: {  	_ =	shalt  }
0x6c: {  	_ =	shalt  }
0x6d: {  	_ =	shalt  }
0x6e: {  	_ =	shalt  }
0x6f: {  	_ =	shalt  }
0x70: {  	_ =	shalt  }
0x71: {  	_ =	shalt  }
0x72: {  	_ =	shalt  }
0x73: {  	_ =	shalt  }
0x74: {  	_ =	shalt  }
0x75: {  	_ =	shalt  }
0x76: {  	_ =	shalt  }
0x77: {  	_ =	shalt  }
0x78: {  	_ =	shalt  }
0x79: {  	_ =	shalt  }
0x7a: {  	_ =	shalt  }
0x7b: {  	_ =	shalt  }
0x7c: {  	_ =	shalt  }
0x7d: {  	_ =	shalt  }
0x7e: {  	_ =	shalt  }
0x7f: {  	_ =	shalt  }
0x80: {  	_ =	shalt  }
0x81: {  	_ =	shalt  }
0x82: {  	_ =	shalt  }
0x83: {  	_ =	shalt  }
0x84: {  	_ =	shalt  }
0x85: {  	_ =	shalt  }
0x86: {  	_ =	shalt  }
0x87: {  	_ =	shalt  }
.Lfunc_end0:
.L_simem_size_0:
called_computation.1_lowered:
.L_overlay_start_0:
0x88: {  	s2 =	sld [smem:$0x3FD9]  }
0x89: {  	s3 =	sld [smem:$0x3FFE];
	_ =	sdelay $0x1  }
0x8a: {  	s1 =	srdreg.scid  }
0x8b: {  	s0 =	sand.u32 $0x1, s1  }
0x8c: {  	s17 =	sshll.u32 s0, $0xA;
	s2 =	sadd.s32 s3, s2  }
0x8d: {  	s2 =	sadd.s32 s2, s17  }
0x8e: {  	[smem:$0x3FBF] =	sst s2  }
0x8f: {  	_ = 	snop  }
0x90: {  	s2 =	sld [smem:$0x3FD0];
	(tm) =	ssettm $0x1  }
0x91: {  	s18 =	sld [smem:$0x3FFB];
	_ =	sdelay $0x3  }
0x92: {  	_ =	strace s18  }
0x93: {  	s3 =	sld [smem:$0x3FFC];
	_ =	sdelay $0x3  }
0x94: {  	_ =	strace s3  }
0x95: {  	s3 =	sld [smem:$0x3FFD];
	_ =	sdelay $0x3  }
0x96: {  	_ =	strace s3  }
0x97: {  	_ =	strace $0x8FFFFFFF  }
0x98: {  	s19 =	sld [smem:$0x3FDB];
	_ =	sdelay $0x1  }
0x99: {  	s4 =	simm.s32 $_scs_section_size  }
0x9a: {  	s5 =	simm.s32 $_size__tile_overlayer_lowered;
	s6 =	simm.s32 $_tile_overlayer_lowered  }
0x9b: {  	s22 =	simm.s32 $0x1BFF;
	s21 =	sshll.u32 s6, $0x1;
	s3 =	sadd.s32 s4, s19  }
0x9c: {  	s7 =	simm.s32 $0x0;
	s20 =	sshll.u32 s5, $0x1;
	s5 =	sadd.s32 s21, s3  }
0x9d: {  	[timem:s7], [sflag:s22] =	dma.local [hbm:s5], s20  }
0x9e: {  	_ =	swait.ge [sflag:s22], s20  }
0x9f: {  	s4 =	ssub.s32 $0x0, s20;
	[sflag:s22] =	ssyncset.done $0x0  }
0xa0: {  	[sflag:s22] =	ssyncadd.s32 s4;
	_ =	sdelay $0x1  }
0xa1: {  	s23 =	simm.s32 $0x1B8B  }
0xa2: {  	_ =	swait.ge [sflag:s23], $0x1  }
0xa3: {  	[sflag:s23] =	ssyncset.done $0x0  }
0xa4: {  	s25 =	simm.s32 $0x1B8E;
	s24 =	sld [smem:$0x3FFE];
	[sflag:s23] =	ssyncadd.s32 $0xFFFFFFFF  }
0xa5: {  	s26 =	simm.s32 $execute0_lowered;
	[smem:$0x3FD2] =	sst s25  }
0xa6: {  	s5 =	sshll.u32 s26, $0x1;
	_ =	strace $0x80000049;
	[dreg:$0x1] =	wrdreg $0xFFFFFFFF  }
0xa7: {  	s28 =	simm.s32 $_size_execute0_lowered;
	s3 =	sadd.s32 s3, s5;
	[dreg:$0x0] =	wrdreg $0x0  }
0xa8: {  	s5 =	sshll.u32 s28, $0x1;
	[dreg:$0x2] =	wrdreg s3  }
0xa9: {  	[dreg:$0x3] =	wrdreg s5  }
0xaa: {  	[dreg:$0x4] =	wrdreg $0xC0  }
0xab: {  	_ =	task [dreg:s7], $0x5FFFF  }
0xac: {  	[dreg:$0x1] =	wrdreg $0xFFFFFFFF  }
0xad: {  	[dreg:$0x0] =	wrdreg $0x60  }
0xae: {  	[dreg:$0x2] =	wrdreg s24  }
0xaf: {  	[dreg:$0x3] =	wrdreg s2  }
0xb0: {  	[dreg:$0x4] =	wrdreg $0x154000  }
0xb1: {  	[dreg:$0x5] =	wrdreg $0x9  }
0xb2: {  	_ =	task.clear_ibuf [dreg:s7], $0x6FFFF;
	_ =	strace $0x90000049  }
0xb3: {  	s29 =	simm.s32 $0x9;
	_ =	strace $0x8000004B  }
0xb4: {  	_ =	swait.ge [sflag:s29], $0x1  }
0xb5: {  	[sflag:s29] =	ssyncadd.s32 $0xFFFFFFFF  }
0xb6: {  	_ =	strace $0x9000004B  }
0xb7: {  	_ =	sfence  }
0xb8: {  	s30 =	sld [smem:$0x0];
	_ =	sdelay $0x2  }
0xb9: {  	s31 =	sshll.u32 s1, $0xD;
	s1 =	sshrl.u32 s1, $0x2  }
0xba: {  	s3 =	sand.u32 $0x4000, s31;
	s1 =	sadd.s32 s1, s30  }
0xbb: {  	s0 =	sor.u32 s3, s0;
	s1 =	sshll.u32 s1, $0x11  }
0xbc: {  	s0 =	sor.u32 s1, s0  }
0xbd: {  	s0 =	sadd.s32 $0x8F2B, s0  }
0xbe: {  	[sflag:s0] =	ssyncadd.remote.s32 $0x1  }
0xbf: {  	_ =	sfence.sel $0xFFFF  }
0xc0: {  	[dreg:$0x0] =	wrdreg $0xFFFFFFFF;
	(pc) =	sbr.abs _section_cstart, $3  }
0xc1: {  	[dreg:$0x1] =	wrdreg $0xFFFFFFFF  }
0xc2: {  	_ =	task.clear_ibuf [dreg:s7], $0x2FFFF;
	_ =	strace $0x9FFFFFFF  }
0xc3: {  	(tm) =	ssettm $0x7FFFFFFF  }
tec
execute0_lowered:
.L_overlay_start_1:
0x0: {  	(tag) =	ssettag $0x1  }
0x1: {  	s4 =	rddreg [dreg:$0x0]  }
0x2: {  	s1 =	srdreg.scid;
	s6 =	rddreg [dreg:$0x1]  }
0x3: {  	s0 =	stileid.u32;
	s2 =	rddreg [dreg:$0x2]  }
0x4: {  	s3 =	simm.s32 $0x0;
	s12 =	simm.s32 $0x80;
	s13 =	simm.s32 $0x1  }
0x5: {  	s5 =	sand.u32 $0x1, s1;
	s30 =	sshll.u32 s0, $0x1;
	s10 =	smul.u32 $0x2780, s0  }
0x6: {  	s1 =	rddreg [dreg:$0x3];
	s7 =	sor.u32 s5, s30;
	s9 =	smul.u32 $0x4F00, s5  }
0x7: {  	[smem:$0x7FF] =	sst s3;
	s31 =	sshll.u32 s0, $0x6;
	s8 =	smul.u32 $0x2800, s7  }
0x8: {  	_ =	strace $0x8000004A;
	s5 =	ssub.s32 $0x2, s5;
	s7 =	smul.u32 $0x280, s7  }
0x9: {  	s11 =	sshrl.u32 s5, $0x1;
	s14 =	sshrl.u32 s10, $0x3;
	s10 =	sadd.s32 s10, s2  }
0xa: {  	s9 =	sadd.s32 s9, s4;
	s11 =	ssub.s32 s5, s11;
	s5 =	sor.u32 $0x1C02, s31  }
0xb: {  	s8 =	sadd.s32 s8, s4;
	s7 =	sadd.s32 s7, s4;
	s4 =	sadd.s32 s6, s14  }
0xc: {  	s15 =	sadd.s32 $0x2C00, s9;
	s9 =	sshrl.u32 s10, $0x3;
	s10 =	simm.s32 $0x2  }
0xd: {  	s6 =	sadd.s32 $0x20800, s8;
	s7 =	sadd.s32 $0x1B800, s7;
	s8 =	smax.u32 s11, $0x1  }
0xe: {  	s11 =	simm.s32 $0x14000;
	s14 =	sadd.s32 s14, s15;
	s15 =	simm.s32 $0x0  }
.LBB2_1:
0xf: {  	[spmem:s9], [sflag:s5] =	dma.local [hbm:s4], $0x4F0  }
0x10: {  	_ =	swait.ge [sflag:s10], $0x4F0  }
0x11: {  	[sflag:s10] =	ssyncset.done $0x0  }
0x12: {  	[sflag:s10] =	ssyncadd.s32 $0xFFFFFB10  }
0x13: {  	[tilespmem:s3], [sflag:$0x2] =	stream.linear.gather [hbm4b:s6+s3], $0x14000, $0x38;
	[tilespmem:$0x17B80] =	vst v63  }
0x14: {  	_ =	swait.ge [sflag:s10], $0x14000  }
0x15: {  	[sflag:s10] =	ssyncset.done $0x0  }
0x16: {  	[sflag:s10] =	ssyncadd.s32 $0xFFFEC000  }
0x17: {  	[tilespmem:s11], [sflag:$0x2] =	stream.linear.gather [hbm4b:s7+s3], $0x1400, $0x38;
	[tilespmem:$0x17B80] =	vst v63  }
0x18: {  	_ =	swait.ge [sflag:s10], $0x1400  }
0x19: {  	[sflag:s10] =	ssyncset.done $0x0  }
0x1a: {  	[sflag:s10] =	ssyncadd.s32 $0xFFFFEC00  }
0x1b: {  	s16 =	simm.s32 $0x0;
	s17 =	simm.s32 $0x0;
	[bflag:$0x0] =	sbarrier.arrive $0xFFFF  }
.LBB2_2:
0x1c: {  	p0 =	sne.s32 s17, $0x4E00  }
.Ltmp0:
0x1d: {  	_ = 	snop;
	(pc) =	sbr.rel @p0 .LBB2_2-.Ltmp0, $4  }
0x1e: {  	s18 =	sshra.s32 s17, $0x2  }
0x1f: {  	s18 =	sadd.s32 $0x14000, s18  }
0x20: {  	[spmem:s2] =	stream.indirect.scatter.add.f32 [tilespmem:s16], [sflag:$0x1], $0x10, s18, s12, $0xb8;
	[tilespmem:$0x17B80] =	vst v63  }
0x21: {  	s17 =	sadd.s32 $0x200, s17;
	s16 =	sadd.s32 $0x800, s16  }
0x22: {  	_ =	swait.ge [sflag:s13], $0x800  }
0x23: {  	s16 =	simm.s32 $0x27;
	[sflag:s13] =	ssyncset.done $0x0  }
.LBB2_4:
0x24: {  	p0 =	sne.s32 s16, $0x1;
	s16 =	sadd.s32 $0xFFFFFFFF, s16;
	[sflag:s13] =	ssyncadd.s32 $0xFFFFF800  }
.Ltmp1:
0x25: {  	(pc) =	sbr.rel @p0 .LBB2_4-.Ltmp1, $3  }
0x26: {  	_ =	sdelay $0x1  }
0x27: {  	_ =	swait.ge [sflag:s13], $0x800  }
0x28: {  	[sflag:s13] =	ssyncset.done $0x0  }
0x29: {  	s15 =	sadd.s32 $0x1, s15  }
0x2a: {  	[sflag:s13] =	ssyncadd.s32 $0xFFFFF800;
	p0 =	sne.s32 s15, s8  }
.Ltmp2:
0x2b: {  	[bflag:$0x0] =	sbarrier.arrive $0xFFFF;
	(pc) =	sbr.rel @p0 .LBB2_1-.Ltmp2, $4  }
0x2c: {  	[hbm:s14], [sflag:s5] =	dma.local [spmem:s9], $0x4F0  }
0x2d: {  	_ =	swait.ge [sflag:s10], $0x4F0  }
0x2e: {  	[sflag:s10] =	ssyncset.done $0x0  }
0x2f: {  	[sflag:s10] =	ssyncadd.s32 $0xFFFFFB10  }
0x30: {  	_ =	sfence.sel $0x180000  }
0x31: {  	[bflag:$0x0] =	sbarrier.arrive $0xFFFF  }
0x32: {  	p0 =	sne.s32 s0, $0x0;
	_ =	strace $0x9000004A  }
0x33: {  	s0 =	sadd.s32 @!p0 $0x100000, s1;
	[bflag:$0x2] =	sbarrier.arrive $0xFFFF  }
0x34: {  	[sflag:s0] =	ssyncadd.tile.s32 @!p0 $0x1;
	_ =	shalt  }
.Lfunc_end2:
_tile_overlayer_lowered:
.L_overlay_start_2:
0x35: {  	(tag) =	ssettag $0x2  }
0x36: {  	s0 =	rddreg [dreg:$0x0];
	s2 =	stileid.u32  }
0x37: {  	s1 =	rddreg [dreg:$0x1];
	p0 =	sne.s32 s2, $0x0  }
0x38: {  	s3 =	rddreg [dreg:$0x2];
	[bflag:$0x3] =	sbarrier.arrive $0xFFFF;
	s2 =	simm.s32 @!p0 $0x1C02  }
0x39: {  	[timem:s3], [sflag:s2] =	dma.local @!p0 [hbm:s0], s1  }
0x3a: {  	s0 =	simm.s32 @!p0 $0x2  }
0x3b: {  	_ =	swait.ge @!p0 [sflag:s0], s1  }
0x3c: {  	s1 =	ssub.s32 @!p0 $0x0, s1;
	[sflag:s0] =	ssyncset.done @!p0 $0x0  }
0x3d: {  	[sflag:s0] =	ssyncadd.s32 @!p0 s1  }
0x3e: {  	[bflag:$0x3] =	sbarrier.arrive $0xFFFF  }
0x3f: {  	_ =	shalt  }

</sc_bundles>
